<compile_context>
chip_gen: v7x
topology: tpu7x:2x2x1
jax: 0.10.2.dev20260603
libtpu: 0.0.44.dev20260713+nightly
codegen_flags: <defaults>
</compile_context>

<pallas_src>
import functools

import jax
import jax.numpy as jnp
from jax import lax
from jax.experimental import pallas as pl
from jax.experimental.pallas import tpu as pltpu
from jax.experimental.pallas import tpu_sc as plsc

_NBUF = 4


def _jet_proj(x_jet, W_jet):
    Bv = x_jet.shape[0]
    EMBv = W_jet.shape[0]

    def body(xj_ref, w_ref, out_ref):
        out_ref[:] = lax.dot_general(
            xj_ref[:], w_ref[:],
            dimension_numbers=(((1,), (1,)), ((), ())),
            preferred_element_type=jnp.float32)

    return pl.pallas_call(
        body,
        out_shape=jax.ShapeDtypeStruct((Bv, EMBv), jnp.float32),
    )(x_jet, W_jet)


def _embed_add(x, jet, table):
    Bv, Lv = x.shape
    EMBv = table.shape[1]
    LANES = 16
    nblk = EMBv // LANES

    mesh = plsc.VectorSubcoreMesh(core_axis_name="c", subcore_axis_name="s")
    NC, NS = mesh.num_cores, mesh.num_subcores
    NW = NC * NS
    nb = Bv // NW

    L0 = min(128, Lv)
    L1 = Lv - L0

    @functools.partial(
        pl.kernel,
        out_type=jax.ShapeDtypeStruct((Bv, Lv, EMBv), jnp.float32),
        mesh=mesh,
        scratch_types=[
            pltpu.VMEM((nb, Lv), jnp.int32),
            pltpu.VMEM((nb, EMBv), jnp.float32),
            pltpu.VMEM((_NBUF, Lv, EMBv), jnp.float32),
        ] + [pltpu.SemaphoreType.DMA] * (2 * _NBUF),
        compiler_params=pltpu.CompilerParams(use_tc_tiling_on_sc=False),
    )
    def sc_k(x_hbm, jet_hbm, table_hbm, out_hbm, idx_v, jet_v, buf_v, *sems):
        sem_g = sems[:_NBUF]
        sem_o = sems[_NBUF:]
        wid = lax.axis_index("s") * NC + lax.axis_index("c")
        base_b = wid * nb

        pltpu.sync_copy(x_hbm.at[pl.ds(base_b, nb)], idx_v)
        pltpu.sync_copy(jet_hbm.at[pl.ds(base_b, nb)], jet_v)

        def issue_gather(jj, slot):
            pltpu.async_copy(
                table_hbm.at[idx_v.at[jj, pl.ds(0, L0)]],
                buf_v.at[slot, pl.ds(0, L0)], sem_g[slot])
            if L1 > 0:
                pltpu.async_copy(
                    table_hbm.at[idx_v.at[jj, pl.ds(L0, L1)]],
                    buf_v.at[slot, pl.ds(L0, L1)], sem_g[slot])

        def drain_gather(jj, slot):
            pltpu.make_async_copy(
                table_hbm.at[idx_v.at[jj, pl.ds(0, L0)]],
                buf_v.at[slot, pl.ds(0, L0)], sem_g[slot]).wait()
            if L1 > 0:
                pltpu.make_async_copy(
                    table_hbm.at[idx_v.at[jj, pl.ds(L0, L1)]],
                    buf_v.at[slot, pl.ds(L0, L1)], sem_g[slot]).wait()

        def drain_out(gb, slot):
            pltpu.make_async_copy(
                buf_v.at[slot], out_hbm.at[gb], sem_o[slot]).wait()

        issue_gather(0, 0)
        issue_gather(1, 1)

        def outer(jo, carry):
            for k in range(_NBUF):
                jj = _NBUF * jo + k
                s2 = (k + 2) % _NBUF

                @pl.when(jj + 2 < nb)
                def _():
                    @pl.when(jj >= 2)
                    def _():
                        drain_out(base_b + jj - 2, s2)
                    issue_gather(jj + 2, s2)

                drain_gather(jj, k)

                jv = [jet_v[jj, pl.ds(t * LANES, LANES)] for t in range(nblk)]

                def row_body(r, c):
                    for t in range(nblk):
                        plsc.addupdate(buf_v.at[k, r, pl.ds(t * LANES, LANES)],
                                       jv[t])
                    return c

                lax.fori_loop(0, Lv, row_body, 0, unroll=4)
                pltpu.async_copy(buf_v.at[k], out_hbm.at[base_b + jj],
                                 sem_o[k])
            return carry

        lax.fori_loop(0, nb // _NBUF, outer, 0)

        for k in range(_NBUF):
            drain_out(base_b + nb - _NBUF + k, (nb - _NBUF + k) % _NBUF)

    return sc_k(x, jet, table)


def kernel(x, x_jet, table, W_jet):
    jet = _jet_proj(x_jet, W_jet)
    return _embed_add(x.astype(jnp.int32), jet, table)

# --- scband reference (transcript-rebuilt; emitter-appended) ---
"""Pipeline reference for scband-project-add-35802847379964 (READ-ONLY COPY).

The authoritative reference and input builder live on the scoring server;
editing this copy changes nothing except your own understanding.
"""

import jax, jax.numpy as jnp
import numpy as np

VOCAB = 1000000
EMB = 64
JET = 16
B = 4096
L = 200


def setup_inputs(seed: int = 0) -> dict:
    key = jax.random.key(seed)
    k1, k2, k3, k4 = jax.random.split(key, 4)
    x = jax.random.randint(k1, (B, L), 0, VOCAB, dtype=jnp.int64) if jax.config.jax_enable_x64 else jax.random.randint(k1, (B, L), 0, VOCAB, dtype=jnp.int32)
    x_jet = jax.random.normal(k2, (B, JET), dtype=jnp.float32)
    # learned params
    table = jax.random.normal(k3, (VOCAB, EMB), dtype=jnp.float32)  # nn.Embedding weight
    W_jet = jax.random.normal(k4, (EMB, JET), dtype=jnp.float32) * (1.0 / np.sqrt(JET))  # nn.Linear(JET, EMB, bias=False).weight
    return {"x": x, "x_jet": x_jet, "table": table, "W_jet": W_jet}


def reference(x, x_jet, table, W_jet):
    # x_part_embed = self.embed_part(x.squeeze(-1).long())
    # squeeze(-1) is a no-op for shape [B, L] with L != 1
    x_part_embed = jnp.take(table, x, axis=0)  # [B, L, EMB]
    # x_jet = x_jet.unsqueeze(1).expand(-1, L, -1); x_jet_embed = self.embed_jet(x_jet)
    x_jet_exp = jnp.broadcast_to(x_jet[:, None, :], (x.shape[0], x.shape[1], x_jet.shape[-1]))  # [B, L, JET]
    x_jet_embed = x_jet_exp @ W_jet.T  # [B, L, EMB]
    return x_part_embed + x_jet_embed

if __name__ == "__main__":
    import jax
    _d = setup_inputs()
    print(jax.jit(kernel)(*tuple(_d.values())))

</pallas_src>

<mosaic_0001>
#map = affine_map<(d0, d1) -> (0, 0)>
#map1 = affine_map<(d0, d1) -> (0, 0, 0)>
module attributes {stable_mosaic.version = 14 : i64} {
  func.func @sc_k(%arg0: i32, %arg1: i32, %arg2: memref<4096x200xi32, #tpu.memory_space<hbm>>, %arg3: memref<4096x64xf32, #tpu.memory_space<hbm>>, %arg4: memref<1000000x64xf32, #tpu.memory_space<hbm>>, %arg5: memref<4096x200x64xf32, #tpu.memory_space<hbm>>, %arg6: memref<128x200xi32, #tpu.memory_space<vmem>>, %arg7: memref<128x64xf32, #tpu.memory_space<vmem>>, %arg8: memref<4x200x64xf32, #tpu.memory_space<vmem>>, %arg9: memref<!tpu.dma_semaphore, #tpu.memory_space<semaphore_mem>>, %arg10: memref<!tpu.dma_semaphore, #tpu.memory_space<semaphore_mem>>, %arg11: memref<!tpu.dma_semaphore, #tpu.memory_space<semaphore_mem>>, %arg12: memref<!tpu.dma_semaphore, #tpu.memory_space<semaphore_mem>>, %arg13: memref<!tpu.dma_semaphore, #tpu.memory_space<semaphore_mem>>, %arg14: memref<!tpu.dma_semaphore, #tpu.memory_space<semaphore_mem>>, %arg15: memref<!tpu.dma_semaphore, #tpu.memory_space<semaphore_mem>>, %arg16: memref<!tpu.dma_semaphore, #tpu.memory_space<semaphore_mem>>) attributes {dimension_semantics = [#tpu.dimension_semantics<core_parallel>, #tpu.dimension_semantics<subcore_parallel>], iteration_bounds = array<i64: 2, 16>, scalar_prefetch = 0 : i64, scratch_operands = 11 : i64, tpu.core_type = #tpu.core_type<sc_vector_subcore>, window_params = [{transform_indices = #map}, {transform_indices = #map}, {transform_indices = #map}, {transform_indices = #map1}]} {
    %mul3A = arith.constant 2 : i32
    %mul3A_0 = arith.muli %arg1, %mul3A : i32
    %add3A = arith.addi %mul3A_0, %arg0 : i32
    %mul3A_1 = arith.constant 128 : i32
    %mul3A_2 = arith.muli %add3A, %mul3A_1 : i32
    "tpu.region"() ({
      %run_scoped3A = tpu.sem_alloc : memref<!tpu.dma_semaphore, #tpu.memory_space<semaphore_mem>>
      %dma_start3A_145 = arith.constant 0 : i32
      %dma_start3A_146 = tpu.memref_slice %arg2[%mul3A_2, %dma_start3A_145] : memref<4096x200xi32, #tpu.memory_space<hbm>> -> memref<128x200xi32, #tpu.memory_space<hbm>>
      %dma_start3A_147 = arith.constant 0 : i32
      %dma_start3A_148 = tpu.memref_slice %arg2[%mul3A_2, %dma_start3A_147] : memref<4096x200xi32, #tpu.memory_space<hbm>> -> memref<128x200xi32, #tpu.memory_space<hbm>>
      tpu.enqueue_dma source(%dma_start3A_148 : memref<128x200xi32, #tpu.memory_space<hbm>>) target(%arg6 : memref<128x200xi32, #tpu.memory_space<vmem>>) target_semaphore(%run_scoped3A : memref<!tpu.dma_semaphore, #tpu.memory_space<semaphore_mem>>)
      %dma_wait3A_149 = arith.constant 0 : i32
      %dma_wait3A_150 = tpu.memref_slice %arg2[%mul3A_2, %dma_wait3A_149] : memref<4096x200xi32, #tpu.memory_space<hbm>> -> memref<128x200xi32, #tpu.memory_space<hbm>>
      %dma_wait3A_151 = arith.constant 0 : i32
      %dma_wait3A_152 = tpu.memref_slice %arg2[%mul3A_2, %dma_wait3A_151] : memref<4096x200xi32, #tpu.memory_space<hbm>> -> memref<128x200xi32, #tpu.memory_space<hbm>>
      tpu.wait_dma2 semaphore(%run_scoped3A : memref<!tpu.dma_semaphore, #tpu.memory_space<semaphore_mem>>) src(%dma_wait3A_152 : memref<128x200xi32, #tpu.memory_space<hbm>>) dst(%arg6 : memref<128x200xi32, #tpu.memory_space<vmem>>)
      tpu.yield
    }) : () -> ()
    "tpu.region"() ({
      %run_scoped3A = tpu.sem_alloc : memref<!tpu.dma_semaphore, #tpu.memory_space<semaphore_mem>>
      %dma_start3A_145 = arith.constant 0 : i32
      %dma_start3A_146 = tpu.memref_slice %arg3[%mul3A_2, %dma_start3A_145] : memref<4096x64xf32, #tpu.memory_space<hbm>> -> memref<128x64xf32, #tpu.memory_space<hbm>>
      %dma_start3A_147 = arith.constant 0 : i32
      %dma_start3A_148 = tpu.memref_slice %arg3[%mul3A_2, %dma_start3A_147] : memref<4096x64xf32, #tpu.memory_space<hbm>> -> memref<128x64xf32, #tpu.memory_space<hbm>>
      tpu.enqueue_dma source(%dma_start3A_148 : memref<128x64xf32, #tpu.memory_space<hbm>>) target(%arg7 : memref<128x64xf32, #tpu.memory_space<vmem>>) target_semaphore(%run_scoped3A : memref<!tpu.dma_semaphore, #tpu.memory_space<semaphore_mem>>)
      %dma_wait3A_149 = arith.constant 0 : i32
      %dma_wait3A_150 = tpu.memref_slice %arg3[%mul3A_2, %dma_wait3A_149] : memref<4096x64xf32, #tpu.memory_space<hbm>> -> memref<128x64xf32, #tpu.memory_space<hbm>>
      %dma_wait3A_151 = arith.constant 0 : i32
      %dma_wait3A_152 = tpu.memref_slice %arg3[%mul3A_2, %dma_wait3A_151] : memref<4096x64xf32, #tpu.memory_space<hbm>> -> memref<128x64xf32, #tpu.memory_space<hbm>>
      tpu.wait_dma2 semaphore(%run_scoped3A : memref<!tpu.dma_semaphore, #tpu.memory_space<semaphore_mem>>) src(%dma_wait3A_152 : memref<128x64xf32, #tpu.memory_space<hbm>>) dst(%arg7 : memref<128x64xf32, #tpu.memory_space<vmem>>)
      tpu.yield
    }) : () -> ()
    %dma_start3A = arith.constant 0 : i32
    %dma_start3A_3 = arith.constant 0 : i32
    %dma_start3A_4 = arith.constant 0 : i32
    %dma_start3A_5 = arith.constant 0 : i32
    %dma_start3A_6 = tpu.memref_slice %arg8[%dma_start3A_3, %dma_start3A_4, %dma_start3A_5] : memref<4x200x64xf32, #tpu.memory_space<vmem>> -> memref<1x128x64xf32, #tpu.memory_space<vmem>>
    %dma_start3A_7 = tpu.memref_squeeze %dma_start3A_6 : memref<1x128x64xf32, #tpu.memory_space<vmem>> -> memref<128x64xf32, #tpu.memory_space<vmem>>
    %dma_start3A_8 = arith.constant 0 : i32
    %dma_start3A_9 = tpu.memref_slice %arg6[%dma_start3A, %dma_start3A_8] : memref<128x200xi32, #tpu.memory_space<vmem>> -> memref<1x128xi32, #tpu.memory_space<vmem>>
    %dma_start3A_10 = tpu.memref_squeeze %dma_start3A_9 : memref<1x128xi32, #tpu.memory_space<vmem>> -> memref<128xi32, #tpu.memory_space<vmem>>
    %dma_start3A_11 = arith.constant 0 : i32
    %dma_start3A_12 = arith.constant 0 : i32
    %dma_start3A_13 = tpu.memref_slice %arg4[%dma_start3A_11, %dma_start3A_12] : memref<1000000x64xf32, #tpu.memory_space<hbm>> -> memref<1000000x64xf32, #tpu.memory_space<hbm>>
    tpu.enqueue_indirect_dma source(%dma_start3A_13 : memref<1000000x64xf32, #tpu.memory_space<hbm>>) target(%dma_start3A_7 : memref<128x64xf32, #tpu.memory_space<vmem>>) offsets(%dma_start3A_10 : memref<128xi32, #tpu.memory_space<vmem>>) semaphore(%arg9 : memref<!tpu.dma_semaphore, #tpu.memory_space<semaphore_mem>>)
    %dma_start3A_14 = arith.constant 0 : i32
    %dma_start3A_15 = arith.constant 0 : i32
    %dma_start3A_16 = arith.constant 128 : i32
    %dma_start3A_17 = arith.constant 0 : i32
    %dma_start3A_18 = tpu.memref_slice %arg8[%dma_start3A_15, %dma_start3A_16, %dma_start3A_17] : memref<4x200x64xf32, #tpu.memory_space<vmem>> -> memref<1x72x64xf32, #tpu.memory_space<vmem>>
    %dma_start3A_19 = tpu.memref_squeeze %dma_start3A_18 : memref<1x72x64xf32, #tpu.memory_space<vmem>> -> memref<72x64xf32, #tpu.memory_space<vmem>>
    %dma_start3A_20 = arith.constant 128 : i32
    %dma_start3A_21 = tpu.memref_slice %arg6[%dma_start3A_14, %dma_start3A_20] : memref<128x200xi32, #tpu.memory_space<vmem>> -> memref<1x72xi32, #tpu.memory_space<vmem>>
    %dma_start3A_22 = tpu.memref_squeeze %dma_start3A_21 : memref<1x72xi32, #tpu.memory_space<vmem>> -> memref<72xi32, #tpu.memory_space<vmem>>
    %dma_start3A_23 = arith.constant 0 : i32
    %dma_start3A_24 = arith.constant 0 : i32
    %dma_start3A_25 = tpu.memref_slice %arg4[%dma_start3A_23, %dma_start3A_24] : memref<1000000x64xf32, #tpu.memory_space<hbm>> -> memref<1000000x64xf32, #tpu.memory_space<hbm>>
    tpu.enqueue_indirect_dma source(%dma_start3A_25 : memref<1000000x64xf32, #tpu.memory_space<hbm>>) target(%dma_start3A_19 : memref<72x64xf32, #tpu.memory_space<vmem>>) offsets(%dma_start3A_22 : memref<72xi32, #tpu.memory_space<vmem>>) semaphore(%arg9 : memref<!tpu.dma_semaphore, #tpu.memory_space<semaphore_mem>>)
    %dma_start3A_26 = arith.constant 1 : i32
    %dma_start3A_27 = arith.constant 1 : i32
    %dma_start3A_28 = arith.constant 0 : i32
    %dma_start3A_29 = arith.constant 0 : i32
    %dma_start3A_30 = tpu.memref_slice %arg8[%dma_start3A_27, %dma_start3A_28, %dma_start3A_29] : memref<4x200x64xf32, #tpu.memory_space<vmem>> -> memref<1x128x64xf32, #tpu.memory_space<vmem>>
    %dma_start3A_31 = tpu.memref_squeeze %dma_start3A_30 : memref<1x128x64xf32, #tpu.memory_space<vmem>> -> memref<128x64xf32, #tpu.memory_space<vmem>>
    %dma_start3A_32 = arith.constant 0 : i32
    %dma_start3A_33 = tpu.memref_slice %arg6[%dma_start3A_26, %dma_start3A_32] : memref<128x200xi32, #tpu.memory_space<vmem>> -> memref<1x128xi32, #tpu.memory_space<vmem>>
    %dma_start3A_34 = tpu.memref_squeeze %dma_start3A_33 : memref<1x128xi32, #tpu.memory_space<vmem>> -> memref<128xi32, #tpu.memory_space<vmem>>
    %dma_start3A_35 = arith.constant 0 : i32
    %dma_start3A_36 = arith.constant 0 : i32
    %dma_start3A_37 = tpu.memref_slice %arg4[%dma_start3A_35, %dma_start3A_36] : memref<1000000x64xf32, #tpu.memory_space<hbm>> -> memref<1000000x64xf32, #tpu.memory_space<hbm>>
    tpu.enqueue_indirect_dma source(%dma_start3A_37 : memref<1000000x64xf32, #tpu.memory_space<hbm>>) target(%dma_start3A_31 : memref<128x64xf32, #tpu.memory_space<vmem>>) offsets(%dma_start3A_34 : memref<128xi32, #tpu.memory_space<vmem>>) semaphore(%arg10 : memref<!tpu.dma_semaphore, #tpu.memory_space<semaphore_mem>>)
    %dma_start3A_38 = arith.constant 1 : i32
    %dma_start3A_39 = arith.constant 1 : i32
    %dma_start3A_40 = arith.constant 128 : i32
    %dma_start3A_41 = arith.constant 0 : i32
    %dma_start3A_42 = tpu.memref_slice %arg8[%dma_start3A_39, %dma_start3A_40, %dma_start3A_41] : memref<4x200x64xf32, #tpu.memory_space<vmem>> -> memref<1x72x64xf32, #tpu.memory_space<vmem>>
    %dma_start3A_43 = tpu.memref_squeeze %dma_start3A_42 : memref<1x72x64xf32, #tpu.memory_space<vmem>> -> memref<72x64xf32, #tpu.memory_space<vmem>>
    %dma_start3A_44 = arith.constant 128 : i32
    %dma_start3A_45 = tpu.memref_slice %arg6[%dma_start3A_38, %dma_start3A_44] : memref<128x200xi32, #tpu.memory_space<vmem>> -> memref<1x72xi32, #tpu.memory_space<vmem>>
    %dma_start3A_46 = tpu.memref_squeeze %dma_start3A_45 : memref<1x72xi32, #tpu.memory_space<vmem>> -> memref<72xi32, #tpu.memory_space<vmem>>
    %dma_start3A_47 = arith.constant 0 : i32
    %dma_start3A_48 = arith.constant 0 : i32
    %dma_start3A_49 = tpu.memref_slice %arg4[%dma_start3A_47, %dma_start3A_48] : memref<1000000x64xf32, #tpu.memory_space<hbm>> -> memref<1000000x64xf32, #tpu.memory_space<hbm>>
    tpu.enqueue_indirect_dma source(%dma_start3A_49 : memref<1000000x64xf32, #tpu.memory_space<hbm>>) target(%dma_start3A_43 : memref<72x64xf32, #tpu.memory_space<vmem>>) offsets(%dma_start3A_46 : memref<72xi32, #tpu.memory_space<vmem>>) semaphore(%arg10 : memref<!tpu.dma_semaphore, #tpu.memory_space<semaphore_mem>>)
    %scan3A = arith.constant 0 : i32
    %scan3A_50 = arith.constant 0 : i32
    %scan3A_51 = arith.constant 32 : i32
    %scan3A_52 = arith.addi %scan3A_50, %scan3A_51 : i32
    %scan3A_53 = arith.constant 1 : i32
    scf.for %scan3A_145 = %scan3A_50 to %scan3A_52 step %scan3A_53  : i32 {
      %mul3A_146 = arith.constant 4 : i32
      %mul3A_147 = arith.muli %mul3A_146, %scan3A_145 : i32
      %add3A_148 = arith.constant 0 : i32
      %add3A_149 = arith.addi %mul3A_147, %add3A_148 : i32
      %add3A_150 = arith.constant 2 : i32
      %add3A_151 = arith.addi %add3A_149, %add3A_150 : i32
      %lt3A = arith.constant 128 : i32
      %lt3A_152 = arith.cmpi slt, %add3A_151, %lt3A : i32
      %convert_element_type3A = arith.extui %lt3A_152 : i1 to i32
      %cond3A = arith.constant 0 : i32
      %cond3A_153 = arith.cmpi ne, %convert_element_type3A, %cond3A : i32
      scf.if %cond3A_153 {
        %ge3A = arith.constant 2 : i32
        %ge3A_434 = arith.cmpi sge, %add3A_149, %ge3A : i32
        %convert_element_type3A_435 = arith.extui %ge3A_434 : i1 to i32
        %cond3A_436 = arith.constant 0 : i32
        %cond3A_437 = arith.cmpi ne, %convert_element_type3A_435, %cond3A_436 : i32
        scf.if %cond3A_437 {
          %add3A_462 = arith.addi %mul3A_2, %add3A_149 : i32
          %sub3A_463 = arith.constant 2 : i32
          %sub3A_464 = arith.subi %add3A_462, %sub3A_463 : i32
          %dma_wait3A_465 = arith.constant 2 : i32
          %dma_wait3A_466 = arith.constant 0 : i32
          %dma_wait3A_467 = arith.constant 0 : i32
          %dma_wait3A_468 = tpu.memref_slice %arg8[%dma_wait3A_465, %dma_wait3A_466, %dma_wait3A_467] : memref<4x200x64xf32, #tpu.memory_space<vmem>> -> memref<1x200x64xf32, #tpu.memory_space<vmem>>
          %dma_wait3A_469 = tpu.memref_squeeze %dma_wait3A_468 : memref<1x200x64xf32, #tpu.memory_space<vmem>> -> memref<200x64xf32, #tpu.memory_space<vmem>>
          %dma_wait3A_470 = arith.constant 0 : i32
          %dma_wait3A_471 = arith.constant 0 : i32
          %dma_wait3A_472 = tpu.memref_slice %arg5[%sub3A_464, %dma_wait3A_470, %dma_wait3A_471] : memref<4096x200x64xf32, #tpu.memory_space<hbm>> -> memref<1x200x64xf32, #tpu.memory_space<hbm>>
          %dma_wait3A_473 = tpu.memref_squeeze %dma_wait3A_472 : memref<1x200x64xf32, #tpu.memory_space<hbm>> -> memref<200x64xf32, #tpu.memory_space<hbm>>
          %dma_wait3A_474 = arith.constant 0 : i32
          %dma_wait3A_475 = arith.constant 0 : i32
          %dma_wait3A_476 = tpu.memref_slice %arg5[%sub3A_464, %dma_wait3A_474, %dma_wait3A_475] : memref<4096x200x64xf32, #tpu.memory_space<hbm>> -> memref<1x200x64xf32, #tpu.memory_space<hbm>>
          %dma_wait3A_477 = tpu.memref_squeeze %dma_wait3A_476 : memref<1x200x64xf32, #tpu.memory_space<hbm>> -> memref<200x64xf32, #tpu.memory_space<hbm>>
          %dma_wait3A_478 = arith.constant 0 : i32
          %dma_wait3A_479 = arith.constant 0 : i32
          %dma_wait3A_480 = tpu.memref_slice %arg8[%dma_wait3A_465, %dma_wait3A_478, %dma_wait3A_479] : memref<4x200x64xf32, #tpu.memory_space<vmem>> -> memref<1x200x64xf32, #tpu.memory_space<vmem>>
          %dma_wait3A_481 = tpu.memref_squeeze %dma_wait3A_480 : memref<1x200x64xf32, #tpu.memory_space<vmem>> -> memref<200x64xf32, #tpu.memory_space<vmem>>
          tpu.wait_dma2 semaphore(%arg15 : memref<!tpu.dma_semaphore, #tpu.memory_space<semaphore_mem>>) src(%dma_wait3A_481 : memref<200x64xf32, #tpu.memory_space<vmem>>) dst(%dma_wait3A_477 : memref<200x64xf32, #tpu.memory_space<hbm>>)
        } else {
        }
        %add3A_438 = arith.constant 2 : i32
        %add3A_439 = arith.addi %add3A_149, %add3A_438 : i32
        %dma_start3A_440 = arith.constant 2 : i32
        %dma_start3A_441 = arith.constant 0 : i32
        %dma_start3A_442 = arith.constant 0 : i32
        %dma_start3A_443 = tpu.memref_slice %arg8[%dma_start3A_440, %dma_start3A_441, %dma_start3A_442] : memref<4x200x64xf32, #tpu.memory_space<vmem>> -> memref<1x128x64xf32, #tpu.memory_space<vmem>>
        %dma_start3A_444 = tpu.memref_squeeze %dma_start3A_443 : memref<1x128x64xf32, #tpu.memory_space<vmem>> -> memref<128x64xf32, #tpu.memory_space<vmem>>
        %dma_start3A_445 = arith.constant 0 : i32
        %dma_start3A_446 = tpu.memref_slice %arg6[%add3A_439, %dma_start3A_445] : memref<128x200xi32, #tpu.memory_space<vmem>> -> memref<1x128xi32, #tpu.memory_space<vmem>>
        %dma_start3A_447 = tpu.memref_squeeze %dma_start3A_446 : memref<1x128xi32, #tpu.memory_space<vmem>> -> memref<128xi32, #tpu.memory_space<vmem>>
        %dma_start3A_448 = arith.constant 0 : i32
        %dma_start3A_449 = arith.constant 0 : i32
        %dma_start3A_450 = tpu.memref_slice %arg4[%dma_start3A_448, %dma_start3A_449] : memref<1000000x64xf32, #tpu.memory_space<hbm>> -> memref<1000000x64xf32, #tpu.memory_space<hbm>>
        tpu.enqueue_indirect_dma source(%dma_start3A_450 : memref<1000000x64xf32, #tpu.memory_space<hbm>>) target(%dma_start3A_444 : memref<128x64xf32, #tpu.memory_space<vmem>>) offsets(%dma_start3A_447 : memref<128xi32, #tpu.memory_space<vmem>>) semaphore(%arg11 : memref<!tpu.dma_semaphore, #tpu.memory_space<semaphore_mem>>)
        %dma_start3A_451 = arith.constant 2 : i32
        %dma_start3A_452 = arith.constant 128 : i32
        %dma_start3A_453 = arith.constant 0 : i32
        %dma_start3A_454 = tpu.memref_slice %arg8[%dma_start3A_451, %dma_start3A_452, %dma_start3A_453] : memref<4x200x64xf32, #tpu.memory_space<vmem>> -> memref<1x72x64xf32, #tpu.memory_space<vmem>>
        %dma_start3A_455 = tpu.memref_squeeze %dma_start3A_454 : memref<1x72x64xf32, #tpu.memory_space<vmem>> -> memref<72x64xf32, #tpu.memory_space<vmem>>
        %dma_start3A_456 = arith.constant 128 : i32
        %dma_start3A_457 = tpu.memref_slice %arg6[%add3A_439, %dma_start3A_456] : memref<128x200xi32, #tpu.memory_space<vmem>> -> memref<1x72xi32, #tpu.memory_space<vmem>>
        %dma_start3A_458 = tpu.memref_squeeze %dma_start3A_457 : memref<1x72xi32, #tpu.memory_space<vmem>> -> memref<72xi32, #tpu.memory_space<vmem>>
        %dma_start3A_459 = arith.constant 0 : i32
        %dma_start3A_460 = arith.constant 0 : i32
        %dma_start3A_461 = tpu.memref_slice %arg4[%dma_start3A_459, %dma_start3A_460] : memref<1000000x64xf32, #tpu.memory_space<hbm>> -> memref<1000000x64xf32, #tpu.memory_space<hbm>>
        tpu.enqueue_indirect_dma source(%dma_start3A_461 : memref<1000000x64xf32, #tpu.memory_space<hbm>>) target(%dma_start3A_455 : memref<72x64xf32, #tpu.memory_space<vmem>>) offsets(%dma_start3A_458 : memref<72xi32, #tpu.memory_space<vmem>>) semaphore(%arg11 : memref<!tpu.dma_semaphore, #tpu.memory_space<semaphore_mem>>)
      } else {
      }
      %dma_wait3A_154 = arith.constant 0 : i32
      %dma_wait3A_155 = arith.constant 0 : i32
      %dma_wait3A_156 = arith.constant 0 : i32
      %dma_wait3A_157 = tpu.memref_slice %arg8[%dma_wait3A_154, %dma_wait3A_155, %dma_wait3A_156] : memref<4x200x64xf32, #tpu.memory_space<vmem>> -> memref<1x128x64xf32, #tpu.memory_space<vmem>>
      %dma_wait3A_158 = tpu.memref_squeeze %dma_wait3A_157 : memref<1x128x64xf32, #tpu.memory_space<vmem>> -> memref<128x64xf32, #tpu.memory_space<vmem>>
      %dma_wait3A_159 = arith.constant 0 : i32
      %dma_wait3A_160 = tpu.memref_slice %arg6[%add3A_149, %dma_wait3A_159] : memref<128x200xi32, #tpu.memory_space<vmem>> -> memref<1x128xi32, #tpu.memory_space<vmem>>
      %dma_wait3A_161 = tpu.memref_squeeze %dma_wait3A_160 : memref<1x128xi32, #tpu.memory_space<vmem>> -> memref<128xi32, #tpu.memory_space<vmem>>
      %dma_wait3A_162 = arith.constant 0 : i32
      %dma_wait3A_163 = arith.constant 0 : i32
      %dma_wait3A_164 = tpu.memref_slice %arg4[%dma_wait3A_162, %dma_wait3A_163] : memref<1000000x64xf32, #tpu.memory_space<hbm>> -> memref<1000000x64xf32, #tpu.memory_space<hbm>>
      tpu.wait_indirect_dma semaphore(%arg9 : memref<!tpu.dma_semaphore, #tpu.memory_space<semaphore_mem>>) src(%dma_wait3A_164 : memref<1000000x64xf32, #tpu.memory_space<hbm>>) dst(%dma_wait3A_158 : memref<128x64xf32, #tpu.memory_space<vmem>>)
      %dma_wait3A_165 = arith.constant 0 : i32
      %dma_wait3A_166 = arith.constant 128 : i32
      %dma_wait3A_167 = arith.constant 0 : i32
      %dma_wait3A_168 = tpu.memref_slice %arg8[%dma_wait3A_165, %dma_wait3A_166, %dma_wait3A_167] : memref<4x200x64xf32, #tpu.memory_space<vmem>> -> memref<1x72x64xf32, #tpu.memory_space<vmem>>
      %dma_wait3A_169 = tpu.memref_squeeze %dma_wait3A_168 : memref<1x72x64xf32, #tpu.memory_space<vmem>> -> memref<72x64xf32, #tpu.memory_space<vmem>>
      %dma_wait3A_170 = arith.constant 128 : i32
      %dma_wait3A_171 = tpu.memref_slice %arg6[%add3A_149, %dma_wait3A_170] : memref<128x200xi32, #tpu.memory_space<vmem>> -> memref<1x72xi32, #tpu.memory_space<vmem>>
      %dma_wait3A_172 = tpu.memref_squeeze %dma_wait3A_171 : memref<1x72xi32, #tpu.memory_space<vmem>> -> memref<72xi32, #tpu.memory_space<vmem>>
      %dma_wait3A_173 = arith.constant 0 : i32
      %dma_wait3A_174 = arith.constant 0 : i32
      %dma_wait3A_175 = tpu.memref_slice %arg4[%dma_wait3A_173, %dma_wait3A_174] : memref<1000000x64xf32, #tpu.memory_space<hbm>> -> memref<1000000x64xf32, #tpu.memory_space<hbm>>
      tpu.wait_indirect_dma semaphore(%arg9 : memref<!tpu.dma_semaphore, #tpu.memory_space<semaphore_mem>>) src(%dma_wait3A_175 : memref<1000000x64xf32, #tpu.memory_space<hbm>>) dst(%dma_wait3A_169 : memref<72x64xf32, #tpu.memory_space<vmem>>)
      %get3A = arith.index_cast %add3A_149 : i32 to index
      %get3A_176 = arith.constant 0 : index
      %get3A_177 = tpu.vector_load %arg7[%get3A, %get3A_176] {strides = array<i32>} : memref<128x64xf32, #tpu.memory_space<vmem>>, vector<1x16xf32>,
      %get3A_178 = vector.shape_cast %get3A_177 : vector<1x16xf32> to vector<16xf32>
      %get3A_179 = arith.index_cast %add3A_149 : i32 to index
      %get3A_180 = arith.constant 16 : index
      %get3A_181 = tpu.vector_load %arg7[%get3A_179, %get3A_180] {strides = array<i32>} : memref<128x64xf32, #tpu.memory_space<vmem>>, vector<1x16xf32>,
      %get3A_182 = vector.shape_cast %get3A_181 : vector<1x16xf32> to vector<16xf32>
      %get3A_183 = arith.index_cast %add3A_149 : i32 to index
      %get3A_184 = arith.constant 32 : index
      %get3A_185 = tpu.vector_load %arg7[%get3A_183, %get3A_184] {strides = array<i32>} : memref<128x64xf32, #tpu.memory_space<vmem>>, vector<1x16xf32>,
      %get3A_186 = vector.shape_cast %get3A_185 : vector<1x16xf32> to vector<16xf32>
      %get3A_187 = arith.index_cast %add3A_149 : i32 to index
      %get3A_188 = arith.constant 48 : index
      %get3A_189 = tpu.vector_load %arg7[%get3A_187, %get3A_188] {strides = array<i32>} : memref<128x64xf32, #tpu.memory_space<vmem>>, vector<1x16xf32>,
      %get3A_190 = vector.shape_cast %get3A_189 : vector<1x16xf32> to vector<16xf32>
      %scan3A_191 = arith.constant 0 : i32
      %scan3A_192 = arith.constant 0 : i32
      %scan3A_193 = arith.constant 200 : i32
      %scan3A_194 = arith.addi %scan3A_192, %scan3A_193 : i32
      %scan3A_195 = arith.constant 4 : i32
      scf.for %scan3A_434 = %scan3A_192 to %scan3A_194 step %scan3A_195  : i32 {
        %swap3A = arith.constant 0 : i32
        %swap3A_435 = arith.index_cast %swap3A : i32 to index
        %swap3A_436 = arith.index_cast %scan3A_434 : i32 to index
        %swap3A_437 = arith.constant 0 : index
        %swap3A_438 = tpu.vector_load %arg8[%swap3A_435, %swap3A_436, %swap3A_437] {strides = array<i32>} : memref<4x200x64xf32, #tpu.memory_space<vmem>>, vector<1x1x16xf32>,
        %swap3A_439 = vector.shape_cast %swap3A_438 : vector<1x1x16xf32> to vector<16xf32>
        %swap3A_440 = vector.shape_cast %get3A_178 : vector<16xf32> to vector<1x1x16xf32>
        tpu.vector_store %arg8[%swap3A_435, %swap3A_436, %swap3A_437], %swap3A_440 {add = true, strides = array<i32>} : memref<4x200x64xf32, #tpu.memory_space<vmem>>, vector<1x1x16xf32>,
        %swap3A_441 = arith.constant 0 : i32
        %swap3A_442 = arith.index_cast %swap3A_441 : i32 to index
        %swap3A_443 = arith.index_cast %scan3A_434 : i32 to index
        %swap3A_444 = arith.constant 16 : index
        %swap3A_445 = tpu.vector_load %arg8[%swap3A_442, %swap3A_443, %swap3A_444] {strides = array<i32>} : memref<4x200x64xf32, #tpu.memory_space<vmem>>, vector<1x1x16xf32>,
        %swap3A_446 = vector.shape_cast %swap3A_445 : vector<1x1x16xf32> to vector<16xf32>
        %swap3A_447 = vector.shape_cast %get3A_182 : vector<16xf32> to vector<1x1x16xf32>
        tpu.vector_store %arg8[%swap3A_442, %swap3A_443, %swap3A_444], %swap3A_447 {add = true, strides = array<i32>} : memref<4x200x64xf32, #tpu.memory_space<vmem>>, vector<1x1x16xf32>,
        %swap3A_448 = arith.constant 0 : i32
        %swap3A_449 = arith.index_cast %swap3A_448 : i32 to index
        %swap3A_450 = arith.index_cast %scan3A_434 : i32 to index
        %swap3A_451 = arith.constant 32 : index
        %swap3A_452 = tpu.vector_load %arg8[%swap3A_449, %swap3A_450, %swap3A_451] {strides = array<i32>} : memref<4x200x64xf32, #tpu.memory_space<vmem>>, vector<1x1x16xf32>,
        %swap3A_453 = vector.shape_cast %swap3A_452 : vector<1x1x16xf32> to vector<16xf32>
        %swap3A_454 = vector.shape_cast %get3A_186 : vector<16xf32> to vector<1x1x16xf32>
        tpu.vector_store %arg8[%swap3A_449, %swap3A_450, %swap3A_451], %swap3A_454 {add = true, strides = array<i32>} : memref<4x200x64xf32, #tpu.memory_space<vmem>>, vector<1x1x16xf32>,
        %swap3A_455 = arith.constant 0 : i32
        %swap3A_456 = arith.index_cast %swap3A_455 : i32 to index
        %swap3A_457 = arith.index_cast %scan3A_434 : i32 to index
        %swap3A_458 = arith.constant 48 : index
        %swap3A_459 = tpu.vector_load %arg8[%swap3A_456, %swap3A_457, %swap3A_458] {strides = array<i32>} : memref<4x200x64xf32, #tpu.memory_space<vmem>>, vector<1x1x16xf32>,
        %swap3A_460 = vector.shape_cast %swap3A_459 : vector<1x1x16xf32> to vector<16xf32>
        %swap3A_461 = vector.shape_cast %get3A_190 : vector<16xf32> to vector<1x1x16xf32>
        tpu.vector_store %arg8[%swap3A_456, %swap3A_457, %swap3A_458], %swap3A_461 {add = true, strides = array<i32>} : memref<4x200x64xf32, #tpu.memory_space<vmem>>, vector<1x1x16xf32>,
        %scan3A_462 = arith.constant 1 : i32
        %scan3A_463 = arith.addi %scan3A_434, %scan3A_462 : i32
        %swap3A_464 = arith.constant 0 : i32
        %swap3A_465 = arith.index_cast %swap3A_464 : i32 to index
        %swap3A_466 = arith.index_cast %scan3A_463 : i32 to index
        %swap3A_467 = arith.constant 0 : index
        %swap3A_468 = tpu.vector_load %arg8[%swap3A_465, %swap3A_466, %swap3A_467] {strides = array<i32>} : memref<4x200x64xf32, #tpu.memory_space<vmem>>, vector<1x1x16xf32>,
        %swap3A_469 = vector.shape_cast %swap3A_468 : vector<1x1x16xf32> to vector<16xf32>
        %swap3A_470 = vector.shape_cast %get3A_178 : vector<16xf32> to vector<1x1x16xf32>
        tpu.vector_store %arg8[%swap3A_465, %swap3A_466, %swap3A_467], %swap3A_470 {add = true, strides = array<i32>} : memref<4x200x64xf32, #tpu.memory_space<vmem>>, vector<1x1x16xf32>,
        %swap3A_471 = arith.constant 0 : i32
        %swap3A_472 = arith.index_cast %swap3A_471 : i32 to index
        %swap3A_473 = arith.index_cast %scan3A_463 : i32 to index
        %swap3A_474 = arith.constant 16 : index
        %swap3A_475 = tpu.vector_load %arg8[%swap3A_472, %swap3A_473, %swap3A_474] {strides = array<i32>} : memref<4x200x64xf32, #tpu.memory_space<vmem>>, vector<1x1x16xf32>,
        %swap3A_476 = vector.shape_cast %swap3A_475 : vector<1x1x16xf32> to vector<16xf32>
        %swap3A_477 = vector.shape_cast %get3A_182 : vector<16xf32> to vector<1x1x16xf32>
        tpu.vector_store %arg8[%swap3A_472, %swap3A_473, %swap3A_474], %swap3A_477 {add = true, strides = array<i32>} : memref<4x200x64xf32, #tpu.memory_space<vmem>>, vector<1x1x16xf32>,
        %swap3A_478 = arith.constant 0 : i32
        %swap3A_479 = arith.index_cast %swap3A_478 : i32 to index
        %swap3A_480 = arith.index_cast %scan3A_463 : i32 to index
        %swap3A_481 = arith.constant 32 : index
        %swap3A_482 = tpu.vector_load %arg8[%swap3A_479, %swap3A_480, %swap3A_481] {strides = array<i32>} : memref<4x200x64xf32, #tpu.memory_space<vmem>>, vector<1x1x16xf32>,
        %swap3A_483 = vector.shape_cast %swap3A_482 : vector<1x1x16xf32> to vector<16xf32>
        %swap3A_484 = vector.shape_cast %get3A_186 : vector<16xf32> to vector<1x1x16xf32>
        tpu.vector_store %arg8[%swap3A_479, %swap3A_480, %swap3A_481], %swap3A_484 {add = true, strides = array<i32>} : memref<4x200x64xf32, #tpu.memory_space<vmem>>, vector<1x1x16xf32>,
        %swap3A_485 = arith.constant 0 : i32
        %swap3A_486 = arith.index_cast %swap3A_485 : i32 to index
        %swap3A_487 = arith.index_cast %scan3A_463 : i32 to index
        %swap3A_488 = arith.constant 48 : index
        %swap3A_489 = tpu.vector_load %arg8[%swap3A_486, %swap3A_487, %swap3A_488] {strides = array<i32>} : memref<4x200x64xf32, #tpu.memory_space<vmem>>, vector<1x1x16xf32>,
        %swap3A_490 = vector.shape_cast %swap3A_489 : vector<1x1x16xf32> to vector<16xf32>
        %swap3A_491 = vector.shape_cast %get3A_190 : vector<16xf32> to vector<1x1x16xf32>
        tpu.vector_store %arg8[%swap3A_486, %swap3A_487, %swap3A_488], %swap3A_491 {add = true, strides = array<i32>} : memref<4x200x64xf32, #tpu.memory_space<vmem>>, vector<1x1x16xf32>,
        %scan3A_492 = arith.constant 2 : i32
        %scan3A_493 = arith.addi %scan3A_434, %scan3A_492 : i32
        %swap3A_494 = arith.constant 0 : i32
        %swap3A_495 = arith.index_cast %swap3A_494 : i32 to index
        %swap3A_496 = arith.index_cast %scan3A_493 : i32 to index
        %swap3A_497 = arith.constant 0 : index
        %swap3A_498 = tpu.vector_load %arg8[%swap3A_495, %swap3A_496, %swap3A_497] {strides = array<i32>} : memref<4x200x64xf32, #tpu.memory_space<vmem>>, vector<1x1x16xf32>,
        %swap3A_499 = vector.shape_cast %swap3A_498 : vector<1x1x16xf32> to vector<16xf32>
        %swap3A_500 = vector.shape_cast %get3A_178 : vector<16xf32> to vector<1x1x16xf32>
        tpu.vector_store %arg8[%swap3A_495, %swap3A_496, %swap3A_497], %swap3A_500 {add = true, strides = array<i32>} : memref<4x200x64xf32, #tpu.memory_space<vmem>>, vector<1x1x16xf32>,
        %swap3A_501 = arith.constant 0 : i32
        %swap3A_502 = arith.index_cast %swap3A_501 : i32 to index
        %swap3A_503 = arith.index_cast %scan3A_493 : i32 to index
        %swap3A_504 = arith.constant 16 : index
        %swap3A_505 = tpu.vector_load %arg8[%swap3A_502, %swap3A_503, %swap3A_504] {strides = array<i32>} : memref<4x200x64xf32, #tpu.memory_space<vmem>>, vector<1x1x16xf32>,
        %swap3A_506 = vector.shape_cast %swap3A_505 : vector<1x1x16xf32> to vector<16xf32>
        %swap3A_507 = vector.shape_cast %get3A_182 : vector<16xf32> to vector<1x1x16xf32>
        tpu.vector_store %arg8[%swap3A_502, %swap3A_503, %swap3A_504], %swap3A_507 {add = true, strides = array<i32>} : memref<4x200x64xf32, #tpu.memory_space<vmem>>, vector<1x1x16xf32>,
        %swap3A_508 = arith.constant 0 : i32
        %swap3A_509 = arith.index_cast %swap3A_508 : i32 to index
        %swap3A_510 = arith.index_cast %scan3A_493 : i32 to index
        %swap3A_511 = arith.constant 32 : index
        %swap3A_512 = tpu.vector_load %arg8[%swap3A_509, %swap3A_510, %swap3A_511] {strides = array<i32>} : memref<4x200x64xf32, #tpu.memory_space<vmem>>, vector<1x1x16xf32>,
        %swap3A_513 = vector.shape_cast %swap3A_512 : vector<1x1x16xf32> to vector<16xf32>
        %swap3A_514 = vector.shape_cast %get3A_186 : vector<16xf32> to vector<1x1x16xf32>
        tpu.vector_store %arg8[%swap3A_509, %swap3A_510, %swap3A_511], %swap3A_514 {add = true, strides = array<i32>} : memref<4x200x64xf32, #tpu.memory_space<vmem>>, vector<1x1x16xf32>,
        %swap3A_515 = arith.constant 0 : i32
        %swap3A_516 = arith.index_cast %swap3A_515 : i32 to index
        %swap3A_517 = arith.index_cast %scan3A_493 : i32 to index
        %swap3A_518 = arith.constant 48 : index
        %swap3A_519 = tpu.vector_load %arg8[%swap3A_516, %swap3A_517, %swap3A_518] {strides = array<i32>} : memref<4x200x64xf32, #tpu.memory_space<vmem>>, vector<1x1x16xf32>,
        %swap3A_520 = vector.shape_cast %swap3A_519 : vector<1x1x16xf32> to vector<16xf32>
        %swap3A_521 = vector.shape_cast %get3A_190 : vector<16xf32> to vector<1x1x16xf32>
        tpu.vector_store %arg8[%swap3A_516, %swap3A_517, %swap3A_518], %swap3A_521 {add = true, strides = array<i32>} : memref<4x200x64xf32, #tpu.memory_space<vmem>>, vector<1x1x16xf32>,
        %scan3A_522 = arith.constant 3 : i32
        %scan3A_523 = arith.addi %scan3A_434, %scan3A_522 : i32
        %swap3A_524 = arith.constant 0 : i32
        %swap3A_525 = arith.index_cast %swap3A_524 : i32 to index
        %swap3A_526 = arith.index_cast %scan3A_523 : i32 to index
        %swap3A_527 = arith.constant 0 : index
        %swap3A_528 = tpu.vector_load %arg8[%swap3A_525, %swap3A_526, %swap3A_527] {strides = array<i32>} : memref<4x200x64xf32, #tpu.memory_space<vmem>>, vector<1x1x16xf32>,
        %swap3A_529 = vector.shape_cast %swap3A_528 : vector<1x1x16xf32> to vector<16xf32>
        %swap3A_530 = vector.shape_cast %get3A_178 : vector<16xf32> to vector<1x1x16xf32>
        tpu.vector_store %arg8[%swap3A_525, %swap3A_526, %swap3A_527], %swap3A_530 {add = true, strides = array<i32>} : memref<4x200x64xf32, #tpu.memory_space<vmem>>, vector<1x1x16xf32>,
        %swap3A_531 = arith.constant 0 : i32
        %swap3A_532 = arith.index_cast %swap3A_531 : i32 to index
        %swap3A_533 = arith.index_cast %scan3A_523 : i32 to index
        %swap3A_534 = arith.constant 16 : index
        %swap3A_535 = tpu.vector_load %arg8[%swap3A_532, %swap3A_533, %swap3A_534] {strides = array<i32>} : memref<4x200x64xf32, #tpu.memory_space<vmem>>, vector<1x1x16xf32>,
        %swap3A_536 = vector.shape_cast %swap3A_535 : vector<1x1x16xf32> to vector<16xf32>
        %swap3A_537 = vector.shape_cast %get3A_182 : vector<16xf32> to vector<1x1x16xf32>
        tpu.vector_store %arg8[%swap3A_532, %swap3A_533, %swap3A_534], %swap3A_537 {add = true, strides = array<i32>} : memref<4x200x64xf32, #tpu.memory_space<vmem>>, vector<1x1x16xf32>,
        %swap3A_538 = arith.constant 0 : i32
        %swap3A_539 = arith.index_cast %swap3A_538 : i32 to index
        %swap3A_540 = arith.index_cast %scan3A_523 : i32 to index
        %swap3A_541 = arith.constant 32 : index
        %swap3A_542 = tpu.vector_load %arg8[%swap3A_539, %swap3A_540, %swap3A_541] {strides = array<i32>} : memref<4x200x64xf32, #tpu.memory_space<vmem>>, vector<1x1x16xf32>,
        %swap3A_543 = vector.shape_cast %swap3A_542 : vector<1x1x16xf32> to vector<16xf32>
        %swap3A_544 = vector.shape_cast %get3A_186 : vector<16xf32> to vector<1x1x16xf32>
        tpu.vector_store %arg8[%swap3A_539, %swap3A_540, %swap3A_541], %swap3A_544 {add = true, strides = array<i32>} : memref<4x200x64xf32, #tpu.memory_space<vmem>>, vector<1x1x16xf32>,
        %swap3A_545 = arith.constant 0 : i32
        %swap3A_546 = arith.index_cast %swap3A_545 : i32 to index
        %swap3A_547 = arith.index_cast %scan3A_523 : i32 to index
        %swap3A_548 = arith.constant 48 : index
        %swap3A_549 = tpu.vector_load %arg8[%swap3A_546, %swap3A_547, %swap3A_548] {strides = array<i32>} : memref<4x200x64xf32, #tpu.memory_space<vmem>>, vector<1x1x16xf32>,
        %swap3A_550 = vector.shape_cast %swap3A_549 : vector<1x1x16xf32> to vector<16xf32>
        %swap3A_551 = vector.shape_cast %get3A_190 : vector<16xf32> to vector<1x1x16xf32>
        tpu.vector_store %arg8[%swap3A_546, %swap3A_547, %swap3A_548], %swap3A_551 {add = true, strides = array<i32>} : memref<4x200x64xf32, #tpu.memory_space<vmem>>, vector<1x1x16xf32>,
      }
      %scan3A_196 = arith.constant 200 : i32
      %add3A_197 = arith.addi %mul3A_2, %add3A_149 : i32
      %dma_start3A_198 = arith.constant 0 : i32
      %dma_start3A_199 = arith.constant 0 : i32
      %dma_start3A_200 = arith.constant 0 : i32
      %dma_start3A_201 = tpu.memref_slice %arg8[%dma_start3A_198, %dma_start3A_199, %dma_start3A_200] : memref<4x200x64xf32, #tpu.memory_space<vmem>> -> memref<1x200x64xf32, #tpu.memory_space<vmem>>
      %dma_start3A_202 = tpu.memref_squeeze %dma_start3A_201 : memref<1x200x64xf32, #tpu.memory_space<vmem>> -> memref<200x64xf32, #tpu.memory_space<vmem>>
      %dma_start3A_203 = arith.constant 0 : i32
      %dma_start3A_204 = arith.constant 0 : i32
      %dma_start3A_205 = tpu.memref_slice %arg5[%add3A_197, %dma_start3A_203, %dma_start3A_204] : memref<4096x200x64xf32, #tpu.memory_space<hbm>> -> memref<1x200x64xf32, #tpu.memory_space<hbm>>
      %dma_start3A_206 = tpu.memref_squeeze %dma_start3A_205 : memref<1x200x64xf32, #tpu.memory_space<hbm>> -> memref<200x64xf32, #tpu.memory_space<hbm>>
      %dma_start3A_207 = arith.constant 0 : i32
      %dma_start3A_208 = arith.constant 0 : i32
      %dma_start3A_209 = tpu.memref_slice %arg5[%add3A_197, %dma_start3A_207, %dma_start3A_208] : memref<4096x200x64xf32, #tpu.memory_space<hbm>> -> memref<1x200x64xf32, #tpu.memory_space<hbm>>
      %dma_start3A_210 = tpu.memref_squeeze %dma_start3A_209 : memref<1x200x64xf32, #tpu.memory_space<hbm>> -> memref<200x64xf32, #tpu.memory_space<hbm>>
      %dma_start3A_211 = arith.constant 0 : i32
      %dma_start3A_212 = arith.constant 0 : i32
      %dma_start3A_213 = tpu.memref_slice %arg8[%dma_start3A_198, %dma_start3A_211, %dma_start3A_212] : memref<4x200x64xf32, #tpu.memory_space<vmem>> -> memref<1x200x64xf32, #tpu.memory_space<vmem>>
      %dma_start3A_214 = tpu.memref_squeeze %dma_start3A_213 : memref<1x200x64xf32, #tpu.memory_space<vmem>> -> memref<200x64xf32, #tpu.memory_space<vmem>>
      tpu.enqueue_dma source(%dma_start3A_214 : memref<200x64xf32, #tpu.memory_space<vmem>>) target(%dma_start3A_210 : memref<200x64xf32, #tpu.memory_space<hbm>>) target_semaphore(%arg13 : memref<!tpu.dma_semaphore, #tpu.memory_space<semaphore_mem>>)
      %mul3A_215 = arith.constant 4 : i32
      %mul3A_216 = arith.muli %mul3A_215, %scan3A_145 : i32
      %add3A_217 = arith.constant 1 : i32
      %add3A_218 = arith.addi %mul3A_216, %add3A_217 : i32
      %add3A_219 = arith.constant 2 : i32
      %add3A_220 = arith.addi %add3A_218, %add3A_219 : i32
      %lt3A_221 = arith.constant 128 : i32
      %lt3A_222 = arith.cmpi slt, %add3A_220, %lt3A_221 : i32
      %convert_element_type3A_223 = arith.extui %lt3A_222 : i1 to i32
      %cond3A_224 = arith.constant 0 : i32
      %cond3A_225 = arith.cmpi ne, %convert_element_type3A_223, %cond3A_224 : i32
      scf.if %cond3A_225 {
        %ge3A = arith.constant 2 : i32
        %ge3A_434 = arith.cmpi sge, %add3A_218, %ge3A : i32
        %convert_element_type3A_435 = arith.extui %ge3A_434 : i1 to i32
        %cond3A_436 = arith.constant 0 : i32
        %cond3A_437 = arith.cmpi ne, %convert_element_type3A_435, %cond3A_436 : i32
        scf.if %cond3A_437 {
          %add3A_462 = arith.addi %mul3A_2, %add3A_218 : i32
          %sub3A_463 = arith.constant 2 : i32
          %sub3A_464 = arith.subi %add3A_462, %sub3A_463 : i32
          %dma_wait3A_465 = arith.constant 3 : i32
          %dma_wait3A_466 = arith.constant 0 : i32
          %dma_wait3A_467 = arith.constant 0 : i32
          %dma_wait3A_468 = tpu.memref_slice %arg8[%dma_wait3A_465, %dma_wait3A_466, %dma_wait3A_467] : memref<4x200x64xf32, #tpu.memory_space<vmem>> -> memref<1x200x64xf32, #tpu.memory_space<vmem>>
          %dma_wait3A_469 = tpu.memref_squeeze %dma_wait3A_468 : memref<1x200x64xf32, #tpu.memory_space<vmem>> -> memref<200x64xf32, #tpu.memory_space<vmem>>
          %dma_wait3A_470 = arith.constant 0 : i32
          %dma_wait3A_471 = arith.constant 0 : i32
          %dma_wait3A_472 = tpu.memref_slice %arg5[%sub3A_464, %dma_wait3A_470, %dma_wait3A_471] : memref<4096x200x64xf32, #tpu.memory_space<hbm>> -> memref<1x200x64xf32, #tpu.memory_space<hbm>>
          %dma_wait3A_473 = tpu.memref_squeeze %dma_wait3A_472 : memref<1x200x64xf32, #tpu.memory_space<hbm>> -> memref<200x64xf32, #tpu.memory_space<hbm>>
          %dma_wait3A_474 = arith.constant 0 : i32
          %dma_wait3A_475 = arith.constant 0 : i32
          %dma_wait3A_476 = tpu.memref_slice %arg5[%sub3A_464, %dma_wait3A_474, %dma_wait3A_475] : memref<4096x200x64xf32, #tpu.memory_space<hbm>> -> memref<1x200x64xf32, #tpu.memory_space<hbm>>
          %dma_wait3A_477 = tpu.memref_squeeze %dma_wait3A_476 : memref<1x200x64xf32, #tpu.memory_space<hbm>> -> memref<200x64xf32, #tpu.memory_space<hbm>>
          %dma_wait3A_478 = arith.constant 0 : i32
          %dma_wait3A_479 = arith.constant 0 : i32
          %dma_wait3A_480 = tpu.memref_slice %arg8[%dma_wait3A_465, %dma_wait3A_478, %dma_wait3A_479] : memref<4x200x64xf32, #tpu.memory_space<vmem>> -> memref<1x200x64xf32, #tpu.memory_space<vmem>>
          %dma_wait3A_481 = tpu.memref_squeeze %dma_wait3A_480 : memref<1x200x64xf32, #tpu.memory_space<vmem>> -> memref<200x64xf32, #tpu.memory_space<vmem>>
          tpu.wait_dma2 semaphore(%arg16 : memref<!tpu.dma_semaphore, #tpu.memory_space<semaphore_mem>>) src(%dma_wait3A_481 : memref<200x64xf32, #tpu.memory_space<vmem>>) dst(%dma_wait3A_477 : memref<200x64xf32, #tpu.memory_space<hbm>>)
        } else {
        }
        %add3A_438 = arith.constant 2 : i32
        %add3A_439 = arith.addi %add3A_218, %add3A_438 : i32
        %dma_start3A_440 = arith.constant 3 : i32
        %dma_start3A_441 = arith.constant 0 : i32
        %dma_start3A_442 = arith.constant 0 : i32
        %dma_start3A_443 = tpu.memref_slice %arg8[%dma_start3A_440, %dma_start3A_441, %dma_start3A_442] : memref<4x200x64xf32, #tpu.memory_space<vmem>> -> memref<1x128x64xf32, #tpu.memory_space<vmem>>
        %dma_start3A_444 = tpu.memref_squeeze %dma_start3A_443 : memref<1x128x64xf32, #tpu.memory_space<vmem>> -> memref<128x64xf32, #tpu.memory_space<vmem>>
        %dma_start3A_445 = arith.constant 0 : i32
        %dma_start3A_446 = tpu.memref_slice %arg6[%add3A_439, %dma_start3A_445] : memref<128x200xi32, #tpu.memory_space<vmem>> -> memref<1x128xi32, #tpu.memory_space<vmem>>
        %dma_start3A_447 = tpu.memref_squeeze %dma_start3A_446 : memref<1x128xi32, #tpu.memory_space<vmem>> -> memref<128xi32, #tpu.memory_space<vmem>>
        %dma_start3A_448 = arith.constant 0 : i32
        %dma_start3A_449 = arith.constant 0 : i32
        %dma_start3A_450 = tpu.memref_slice %arg4[%dma_start3A_448, %dma_start3A_449] : memref<1000000x64xf32, #tpu.memory_space<hbm>> -> memref<1000000x64xf32, #tpu.memory_space<hbm>>
        tpu.enqueue_indirect_dma source(%dma_start3A_450 : memref<1000000x64xf32, #tpu.memory_space<hbm>>) target(%dma_start3A_444 : memref<128x64xf32, #tpu.memory_space<vmem>>) offsets(%dma_start3A_447 : memref<128xi32, #tpu.memory_space<vmem>>) semaphore(%arg12 : memref<!tpu.dma_semaphore, #tpu.memory_space<semaphore_mem>>)
        %dma_start3A_451 = arith.constant 3 : i32
        %dma_start3A_452 = arith.constant 128 : i32
        %dma_start3A_453 = arith.constant 0 : i32
        %dma_start3A_454 = tpu.memref_slice %arg8[%dma_start3A_451, %dma_start3A_452, %dma_start3A_453] : memref<4x200x64xf32, #tpu.memory_space<vmem>> -> memref<1x72x64xf32, #tpu.memory_space<vmem>>
        %dma_start3A_455 = tpu.memref_squeeze %dma_start3A_454 : memref<1x72x64xf32, #tpu.memory_space<vmem>> -> memref<72x64xf32, #tpu.memory_space<vmem>>
        %dma_start3A_456 = arith.constant 128 : i32
        %dma_start3A_457 = tpu.memref_slice %arg6[%add3A_439, %dma_start3A_456] : memref<128x200xi32, #tpu.memory_space<vmem>> -> memref<1x72xi32, #tpu.memory_space<vmem>>
        %dma_start3A_458 = tpu.memref_squeeze %dma_start3A_457 : memref<1x72xi32, #tpu.memory_space<vmem>> -> memref<72xi32, #tpu.memory_space<vmem>>
        %dma_start3A_459 = arith.constant 0 : i32
        %dma_start3A_460 = arith.constant 0 : i32
        %dma_start3A_461 = tpu.memref_slice %arg4[%dma_start3A_459, %dma_start3A_460] : memref<1000000x64xf32, #tpu.memory_space<hbm>> -> memref<1000000x64xf32, #tpu.memory_space<hbm>>
        tpu.enqueue_indirect_dma source(%dma_start3A_461 : memref<1000000x64xf32, #tpu.memory_space<hbm>>) target(%dma_start3A_455 : memref<72x64xf32, #tpu.memory_space<vmem>>) offsets(%dma_start3A_458 : memref<72xi32, #tpu.memory_space<vmem>>) semaphore(%arg12 : memref<!tpu.dma_semaphore, #tpu.memory_space<semaphore_mem>>)
      } else {
      }
      %dma_wait3A_226 = arith.constant 1 : i32
      %dma_wait3A_227 = arith.constant 0 : i32
      %dma_wait3A_228 = arith.constant 0 : i32
      %dma_wait3A_229 = tpu.memref_slice %arg8[%dma_wait3A_226, %dma_wait3A_227, %dma_wait3A_228] : memref<4x200x64xf32, #tpu.memory_space<vmem>> -> memref<1x128x64xf32, #tpu.memory_space<vmem>>
      %dma_wait3A_230 = tpu.memref_squeeze %dma_wait3A_229 : memref<1x128x64xf32, #tpu.memory_space<vmem>> -> memref<128x64xf32, #tpu.memory_space<vmem>>
      %dma_wait3A_231 = arith.constant 0 : i32
      %dma_wait3A_232 = tpu.memref_slice %arg6[%add3A_218, %dma_wait3A_231] : memref<128x200xi32, #tpu.memory_space<vmem>> -> memref<1x128xi32, #tpu.memory_space<vmem>>
      %dma_wait3A_233 = tpu.memref_squeeze %dma_wait3A_232 : memref<1x128xi32, #tpu.memory_space<vmem>> -> memref<128xi32, #tpu.memory_space<vmem>>
      %dma_wait3A_234 = arith.constant 0 : i32
      %dma_wait3A_235 = arith.constant 0 : i32
      %dma_wait3A_236 = tpu.memref_slice %arg4[%dma_wait3A_234, %dma_wait3A_235] : memref<1000000x64xf32, #tpu.memory_space<hbm>> -> memref<1000000x64xf32, #tpu.memory_space<hbm>>
      tpu.wait_indirect_dma semaphore(%arg10 : memref<!tpu.dma_semaphore, #tpu.memory_space<semaphore_mem>>) src(%dma_wait3A_236 : memref<1000000x64xf32, #tpu.memory_space<hbm>>) dst(%dma_wait3A_230 : memref<128x64xf32, #tpu.memory_space<vmem>>)
      %dma_wait3A_237 = arith.constant 1 : i32
      %dma_wait3A_238 = arith.constant 128 : i32
      %dma_wait3A_239 = arith.constant 0 : i32
      %dma_wait3A_240 = tpu.memref_slice %arg8[%dma_wait3A_237, %dma_wait3A_238, %dma_wait3A_239] : memref<4x200x64xf32, #tpu.memory_space<vmem>> -> memref<1x72x64xf32, #tpu.memory_space<vmem>>
      %dma_wait3A_241 = tpu.memref_squeeze %dma_wait3A_240 : memref<1x72x64xf32, #tpu.memory_space<vmem>> -> memref<72x64xf32, #tpu.memory_space<vmem>>
      %dma_wait3A_242 = arith.constant 128 : i32
      %dma_wait3A_243 = tpu.memref_slice %arg6[%add3A_218, %dma_wait3A_242] : memref<128x200xi32, #tpu.memory_space<vmem>> -> memref<1x72xi32, #tpu.memory_space<vmem>>
      %dma_wait3A_244 = tpu.memref_squeeze %dma_wait3A_243 : memref<1x72xi32, #tpu.memory_space<vmem>> -> memref<72xi32, #tpu.memory_space<vmem>>
      %dma_wait3A_245 = arith.constant 0 : i32
      %dma_wait3A_246 = arith.constant 0 : i32
      %dma_wait3A_247 = tpu.memref_slice %arg4[%dma_wait3A_245, %dma_wait3A_246] : memref<1000000x64xf32, #tpu.memory_space<hbm>> -> memref<1000000x64xf32, #tpu.memory_space<hbm>>
      tpu.wait_indirect_dma semaphore(%arg10 : memref<!tpu.dma_semaphore, #tpu.memory_space<semaphore_mem>>) src(%dma_wait3A_247 : memref<1000000x64xf32, #tpu.memory_space<hbm>>) dst(%dma_wait3A_241 : memref<72x64xf32, #tpu.memory_space<vmem>>)
      %get3A_248 = arith.index_cast %add3A_218 : i32 to index
      %get3A_249 = arith.constant 0 : index
      %get3A_250 = tpu.vector_load %arg7[%get3A_248, %get3A_249] {strides = array<i32>} : memref<128x64xf32, #tpu.memory_space<vmem>>, vector<1x16xf32>,
      %get3A_251 = vector.shape_cast %get3A_250 : vector<1x16xf32> to vector<16xf32>
      %get3A_252 = arith.index_cast %add3A_218 : i32 to index
      %get3A_253 = arith.constant 16 : index
      %get3A_254 = tpu.vector_load %arg7[%get3A_252, %get3A_253] {strides = array<i32>} : memref<128x64xf32, #tpu.memory_space<vmem>>, vector<1x16xf32>,
      %get3A_255 = vector.shape_cast %get3A_254 : vector<1x16xf32> to vector<16xf32>
      %get3A_256 = arith.index_cast %add3A_218 : i32 to index
      %get3A_257 = arith.constant 32 : index
      %get3A_258 = tpu.vector_load %arg7[%get3A_256, %get3A_257] {strides = array<i32>} : memref<128x64xf32, #tpu.memory_space<vmem>>, vector<1x16xf32>,
      %get3A_259 = vector.shape_cast %get3A_258 : vector<1x16xf32> to vector<16xf32>
      %get3A_260 = arith.index_cast %add3A_218 : i32 to index
      %get3A_261 = arith.constant 48 : index
      %get3A_262 = tpu.vector_load %arg7[%get3A_260, %get3A_261] {strides = array<i32>} : memref<128x64xf32, #tpu.memory_space<vmem>>, vector<1x16xf32>,
      %get3A_263 = vector.shape_cast %get3A_262 : vector<1x16xf32> to vector<16xf32>
      %scan3A_264 = arith.constant 0 : i32
      %scan3A_265 = arith.constant 0 : i32
      %scan3A_266 = arith.constant 200 : i32
      %scan3A_267 = arith.addi %scan3A_265, %scan3A_266 : i32
      %scan3A_268 = arith.constant 4 : i32
      scf.for %scan3A_434 = %scan3A_265 to %scan3A_267 step %scan3A_268  : i32 {
        %swap3A = arith.constant 1 : i32
        %swap3A_435 = arith.index_cast %swap3A : i32 to index
        %swap3A_436 = arith.index_cast %scan3A_434 : i32 to index
        %swap3A_437 = arith.constant 0 : index
        %swap3A_438 = tpu.vector_load %arg8[%swap3A_435, %swap3A_436, %swap3A_437] {strides = array<i32>} : memref<4x200x64xf32, #tpu.memory_space<vmem>>, vector<1x1x16xf32>,
        %swap3A_439 = vector.shape_cast %swap3A_438 : vector<1x1x16xf32> to vector<16xf32>
        %swap3A_440 = vector.shape_cast %get3A_251 : vector<16xf32> to vector<1x1x16xf32>
        tpu.vector_store %arg8[%swap3A_435, %swap3A_436, %swap3A_437], %swap3A_440 {add = true, strides = array<i32>} : memref<4x200x64xf32, #tpu.memory_space<vmem>>, vector<1x1x16xf32>,
        %swap3A_441 = arith.constant 1 : i32
        %swap3A_442 = arith.index_cast %swap3A_441 : i32 to index
        %swap3A_443 = arith.index_cast %scan3A_434 : i32 to index
        %swap3A_444 = arith.constant 16 : index
        %swap3A_445 = tpu.vector_load %arg8[%swap3A_442, %swap3A_443, %swap3A_444] {strides = array<i32>} : memref<4x200x64xf32, #tpu.memory_space<vmem>>, vector<1x1x16xf32>,
        %swap3A_446 = vector.shape_cast %swap3A_445 : vector<1x1x16xf32> to vector<16xf32>
        %swap3A_447 = vector.shape_cast %get3A_255 : vector<16xf32> to vector<1x1x16xf32>
        tpu.vector_store %arg8[%swap3A_442, %swap3A_443, %swap3A_444], %swap3A_447 {add = true, strides = array<i32>} : memref<4x200x64xf32, #tpu.memory_space<vmem>>, vector<1x1x16xf32>,
        %swap3A_448 = arith.constant 1 : i32
        %swap3A_449 = arith.index_cast %swap3A_448 : i32 to index
        %swap3A_450 = arith.index_cast %scan3A_434 : i32 to index
        %swap3A_451 = arith.constant 32 : index
        %swap3A_452 = tpu.vector_load %arg8[%swap3A_449, %swap3A_450, %swap3A_451] {strides = array<i32>} : memref<4x200x64xf32, #tpu.memory_space<vmem>>, vector<1x1x16xf32>,
        %swap3A_453 = vector.shape_cast %swap3A_452 : vector<1x1x16xf32> to vector<16xf32>
        %swap3A_454 = vector.shape_cast %get3A_259 : vector<16xf32> to vector<1x1x16xf32>
        tpu.vector_store %arg8[%swap3A_449, %swap3A_450, %swap3A_451], %swap3A_454 {add = true, strides = array<i32>} : memref<4x200x64xf32, #tpu.memory_space<vmem>>, vector<1x1x16xf32>,
        %swap3A_455 = arith.constant 1 : i32
        %swap3A_456 = arith.index_cast %swap3A_455 : i32 to index
        %swap3A_457 = arith.index_cast %scan3A_434 : i32 to index
        %swap3A_458 = arith.constant 48 : index
        %swap3A_459 = tpu.vector_load %arg8[%swap3A_456, %swap3A_457, %swap3A_458] {strides = array<i32>} : memref<4x200x64xf32, #tpu.memory_space<vmem>>, vector<1x1x16xf32>,
        %swap3A_460 = vector.shape_cast %swap3A_459 : vector<1x1x16xf32> to vector<16xf32>
        %swap3A_461 = vector.shape_cast %get3A_263 : vector<16xf32> to vector<1x1x16xf32>
        tpu.vector_store %arg8[%swap3A_456, %swap3A_457, %swap3A_458], %swap3A_461 {add = true, strides = array<i32>} : memref<4x200x64xf32, #tpu.memory_space<vmem>>, vector<1x1x16xf32>,
        %scan3A_462 = arith.constant 1 : i32
        %scan3A_463 = arith.addi %scan3A_434, %scan3A_462 : i32
        %swap3A_464 = arith.constant 1 : i32
        %swap3A_465 = arith.index_cast %swap3A_464 : i32 to index
        %swap3A_466 = arith.index_cast %scan3A_463 : i32 to index
        %swap3A_467 = arith.constant 0 : index
        %swap3A_468 = tpu.vector_load %arg8[%swap3A_465, %swap3A_466, %swap3A_467] {strides = array<i32>} : memref<4x200x64xf32, #tpu.memory_space<vmem>>, vector<1x1x16xf32>,
        %swap3A_469 = vector.shape_cast %swap3A_468 : vector<1x1x16xf32> to vector<16xf32>
        %swap3A_470 = vector.shape_cast %get3A_251 : vector<16xf32> to vector<1x1x16xf32>
        tpu.vector_store %arg8[%swap3A_465, %swap3A_466, %swap3A_467], %swap3A_470 {add = true, strides = array<i32>} : memref<4x200x64xf32, #tpu.memory_space<vmem>>, vector<1x1x16xf32>,
        %swap3A_471 = arith.constant 1 : i32
        %swap3A_472 = arith.index_cast %swap3A_471 : i32 to index
        %swap3A_473 = arith.index_cast %scan3A_463 : i32 to index
        %swap3A_474 = arith.constant 16 : index
        %swap3A_475 = tpu.vector_load %arg8[%swap3A_472, %swap3A_473, %swap3A_474] {strides = array<i32>} : memref<4x200x64xf32, #tpu.memory_space<vmem>>, vector<1x1x16xf32>,
        %swap3A_476 = vector.shape_cast %swap3A_475 : vector<1x1x16xf32> to vector<16xf32>
        %swap3A_477 = vector.shape_cast %get3A_255 : vector<16xf32> to vector<1x1x16xf32>
        tpu.vector_store %arg8[%swap3A_472, %swap3A_473, %swap3A_474], %swap3A_477 {add = true, strides = array<i32>} : memref<4x200x64xf32, #tpu.memory_space<vmem>>, vector<1x1x16xf32>,
        %swap3A_478 = arith.constant 1 : i32
        %swap3A_479 = arith.index_cast %swap3A_478 : i32 to index
        %swap3A_480 = arith.index_cast %scan3A_463 : i32 to index
        %swap3A_481 = arith.constant 32 : index
        %swap3A_482 = tpu.vector_load %arg8[%swap3A_479, %swap3A_480, %swap3A_481] {strides = array<i32>} : memref<4x200x64xf32, #tpu.memory_space<vmem>>, vector<1x1x16xf32>,
        %swap3A_483 = vector.shape_cast %swap3A_482 : vector<1x1x16xf32> to vector<16xf32>
        %swap3A_484 = vector.shape_cast %get3A_259 : vector<16xf32> to vector<1x1x16xf32>
        tpu.vector_store %arg8[%swap3A_479, %swap3A_480, %swap3A_481], %swap3A_484 {add = true, strides = array<i32>} : memref<4x200x64xf32, #tpu.memory_space<vmem>>, vector<1x1x16xf32>,
        %swap3A_485 = arith.constant 1 : i32
        %swap3A_486 = arith.index_cast %swap3A_485 : i32 to index
        %swap3A_487 = arith.index_cast %scan3A_463 : i32 to index
        %swap3A_488 = arith.constant 48 : index
        %swap3A_489 = tpu.vector_load %arg8[%swap3A_486, %swap3A_487, %swap3A_488] {strides = array<i32>} : memref<4x200x64xf32, #tpu.memory_space<vmem>>, vector<1x1x16xf32>,
        %swap3A_490 = vector.shape_cast %swap3A_489 : vector<1x1x16xf32> to vector<16xf32>
        %swap3A_491 = vector.shape_cast %get3A_263 : vector<16xf32> to vector<1x1x16xf32>
        tpu.vector_store %arg8[%swap3A_486, %swap3A_487, %swap3A_488], %swap3A_491 {add = true, strides = array<i32>} : memref<4x200x64xf32, #tpu.memory_space<vmem>>, vector<1x1x16xf32>,
        %scan3A_492 = arith.constant 2 : i32
        %scan3A_493 = arith.addi %scan3A_434, %scan3A_492 : i32
        %swap3A_494 = arith.constant 1 : i32
        %swap3A_495 = arith.index_cast %swap3A_494 : i32 to index
        %swap3A_496 = arith.index_cast %scan3A_493 : i32 to index
        %swap3A_497 = arith.constant 0 : index
        %swap3A_498 = tpu.vector_load %arg8[%swap3A_495, %swap3A_496, %swap3A_497] {strides = array<i32>} : memref<4x200x64xf32, #tpu.memory_space<vmem>>, vector<1x1x16xf32>,
        %swap3A_499 = vector.shape_cast %swap3A_498 : vector<1x1x16xf32> to vector<16xf32>
        %swap3A_500 = vector.shape_cast %get3A_251 : vector<16xf32> to vector<1x1x16xf32>
        tpu.vector_store %arg8[%swap3A_495, %swap3A_496, %swap3A_497], %swap3A_500 {add = true, strides = array<i32>} : memref<4x200x64xf32, #tpu.memory_space<vmem>>, vector<1x1x16xf32>,
        %swap3A_501 = arith.constant 1 : i32
        %swap3A_502 = arith.index_cast %swap3A_501 : i32 to index
        %swap3A_503 = arith.index_cast %scan3A_493 : i32 to index
        %swap3A_504 = arith.constant 16 : index
        %swap3A_505 = tpu.vector_load %arg8[%swap3A_502, %swap3A_503, %swap3A_504] {strides = array<i32>} : memref<4x200x64xf32, #tpu.memory_space<vmem>>, vector<1x1x16xf32>,
        %swap3A_506 = vector.shape_cast %swap3A_505 : vector<1x1x16xf32> to vector<16xf32>
        %swap3A_507 = vector.shape_cast %get3A_255 : vector<16xf32> to vector<1x1x16xf32>
        tpu.vector_store %arg8[%swap3A_502, %swap3A_503, %swap3A_504], %swap3A_507 {add = true, strides = array<i32>} : memref<4x200x64xf32, #tpu.memory_space<vmem>>, vector<1x1x16xf32>,
        %swap3A_508 = arith.constant 1 : i32
        %swap3A_509 = arith.index_cast %swap3A_508 : i32 to index
        %swap3A_510 = arith.index_cast %scan3A_493 : i32 to index
        %swap3A_511 = arith.constant 32 : index
        %swap3A_512 = tpu.vector_load %arg8[%swap3A_509, %swap3A_510, %swap3A_511] {strides = array<i32>} : memref<4x200x64xf32, #tpu.memory_space<vmem>>, vector<1x1x16xf32>,
        %swap3A_513 = vector.shape_cast %swap3A_512 : vector<1x1x16xf32> to vector<16xf32>
        %swap3A_514 = vector.shape_cast %get3A_259 : vector<16xf32> to vector<1x1x16xf32>
        tpu.vector_store %arg8[%swap3A_509, %swap3A_510, %swap3A_511], %swap3A_514 {add = true, strides = array<i32>} : memref<4x200x64xf32, #tpu.memory_space<vmem>>, vector<1x1x16xf32>,
        %swap3A_515 = arith.constant 1 : i32
        %swap3A_516 = arith.index_cast %swap3A_515 : i32 to index
        %swap3A_517 = arith.index_cast %scan3A_493 : i32 to index
        %swap3A_518 = arith.constant 48 : index
        %swap3A_519 = tpu.vector_load %arg8[%swap3A_516, %swap3A_517, %swap3A_518] {strides = array<i32>} : memref<4x200x64xf32, #tpu.memory_space<vmem>>, vector<1x1x16xf32>,
        %swap3A_520 = vector.shape_cast %swap3A_519 : vector<1x1x16xf32> to vector<16xf32>
        %swap3A_521 = vector.shape_cast %get3A_263 : vector<16xf32> to vector<1x1x16xf32>
        tpu.vector_store %arg8[%swap3A_516, %swap3A_517, %swap3A_518], %swap3A_521 {add = true, strides = array<i32>} : memref<4x200x64xf32, #tpu.memory_space<vmem>>, vector<1x1x16xf32>,
        %scan3A_522 = arith.constant 3 : i32
        %scan3A_523 = arith.addi %scan3A_434, %scan3A_522 : i32
        %swap3A_524 = arith.constant 1 : i32
        %swap3A_525 = arith.index_cast %swap3A_524 : i32 to index
        %swap3A_526 = arith.index_cast %scan3A_523 : i32 to index
        %swap3A_527 = arith.constant 0 : index
        %swap3A_528 = tpu.vector_load %arg8[%swap3A_525, %swap3A_526, %swap3A_527] {strides = array<i32>} : memref<4x200x64xf32, #tpu.memory_space<vmem>>, vector<1x1x16xf32>,
        %swap3A_529 = vector.shape_cast %swap3A_528 : vector<1x1x16xf32> to vector<16xf32>
        %swap3A_530 = vector.shape_cast %get3A_251 : vector<16xf32> to vector<1x1x16xf32>
        tpu.vector_store %arg8[%swap3A_525, %swap3A_526, %swap3A_527], %swap3A_530 {add = true, strides = array<i32>} : memref<4x200x64xf32, #tpu.memory_space<vmem>>, vector<1x1x16xf32>,
        %swap3A_531 = arith.constant 1 : i32
        %swap3A_532 = arith.index_cast %swap3A_531 : i32 to index
        %swap3A_533 = arith.index_cast %scan3A_523 : i32 to index
        %swap3A_534 = arith.constant 16 : index
        %swap3A_535 = tpu.vector_load %arg8[%swap3A_532, %swap3A_533, %swap3A_534] {strides = array<i32>} : memref<4x200x64xf32, #tpu.memory_space<vmem>>, vector<1x1x16xf32>,
        %swap3A_536 = vector.shape_cast %swap3A_535 : vector<1x1x16xf32> to vector<16xf32>
        %swap3A_537 = vector.shape_cast %get3A_255 : vector<16xf32> to vector<1x1x16xf32>
        tpu.vector_store %arg8[%swap3A_532, %swap3A_533, %swap3A_534], %swap3A_537 {add = true, strides = array<i32>} : memref<4x200x64xf32, #tpu.memory_space<vmem>>, vector<1x1x16xf32>,
        %swap3A_538 = arith.constant 1 : i32
        %swap3A_539 = arith.index_cast %swap3A_538 : i32 to index
        %swap3A_540 = arith.index_cast %scan3A_523 : i32 to index
        %swap3A_541 = arith.constant 32 : index
        %swap3A_542 = tpu.vector_load %arg8[%swap3A_539, %swap3A_540, %swap3A_541] {strides = array<i32>} : memref<4x200x64xf32, #tpu.memory_space<vmem>>, vector<1x1x16xf32>,
        %swap3A_543 = vector.shape_cast %swap3A_542 : vector<1x1x16xf32> to vector<16xf32>
        %swap3A_544 = vector.shape_cast %get3A_259 : vector<16xf32> to vector<1x1x16xf32>
        tpu.vector_store %arg8[%swap3A_539, %swap3A_540, %swap3A_541], %swap3A_544 {add = true, strides = array<i32>} : memref<4x200x64xf32, #tpu.memory_space<vmem>>, vector<1x1x16xf32>,
        %swap3A_545 = arith.constant 1 : i32
        %swap3A_546 = arith.index_cast %swap3A_545 : i32 to index
        %swap3A_547 = arith.index_cast %scan3A_523 : i32 to index
        %swap3A_548 = arith.constant 48 : index
        %swap3A_549 = tpu.vector_load %arg8[%swap3A_546, %swap3A_547, %swap3A_548] {strides = array<i32>} : memref<4x200x64xf32, #tpu.memory_space<vmem>>, vector<1x1x16xf32>,
        %swap3A_550 = vector.shape_cast %swap3A_549 : vector<1x1x16xf32> to vector<16xf32>
        %swap3A_551 = vector.shape_cast %get3A_263 : vector<16xf32> to vector<1x1x16xf32>
        tpu.vector_store %arg8[%swap3A_546, %swap3A_547, %swap3A_548], %swap3A_551 {add = true, strides = array<i32>} : memref<4x200x64xf32, #tpu.memory_space<vmem>>, vector<1x1x16xf32>,
      }
      %scan3A_269 = arith.constant 200 : i32
      %add3A_270 = arith.addi %mul3A_2, %add3A_218 : i32
      %dma_start3A_271 = arith.constant 1 : i32
      %dma_start3A_272 = arith.constant 0 : i32
      %dma_start3A_273 = arith.constant 0 : i32
      %dma_start3A_274 = tpu.memref_slice %arg8[%dma_start3A_271, %dma_start3A_272, %dma_start3A_273] : memref<4x200x64xf32, #tpu.memory_space<vmem>> -> memref<1x200x64xf32, #tpu.memory_space<vmem>>
      %dma_start3A_275 = tpu.memref_squeeze %dma_start3A_274 : memref<1x200x64xf32, #tpu.memory_space<vmem>> -> memref<200x64xf32, #tpu.memory_space<vmem>>
      %dma_start3A_276 = arith.constant 0 : i32
      %dma_start3A_277 = arith.constant 0 : i32
      %dma_start3A_278 = tpu.memref_slice %arg5[%add3A_270, %dma_start3A_276, %dma_start3A_277] : memref<4096x200x64xf32, #tpu.memory_space<hbm>> -> memref<1x200x64xf32, #tpu.memory_space<hbm>>
      %dma_start3A_279 = tpu.memref_squeeze %dma_start3A_278 : memref<1x200x64xf32, #tpu.memory_space<hbm>> -> memref<200x64xf32, #tpu.memory_space<hbm>>
      %dma_start3A_280 = arith.constant 0 : i32
      %dma_start3A_281 = arith.constant 0 : i32
      %dma_start3A_282 = tpu.memref_slice %arg5[%add3A_270, %dma_start3A_280, %dma_start3A_281] : memref<4096x200x64xf32, #tpu.memory_space<hbm>> -> memref<1x200x64xf32, #tpu.memory_space<hbm>>
      %dma_start3A_283 = tpu.memref_squeeze %dma_start3A_282 : memref<1x200x64xf32, #tpu.memory_space<hbm>> -> memref<200x64xf32, #tpu.memory_space<hbm>>
      %dma_start3A_284 = arith.constant 0 : i32
      %dma_start3A_285 = arith.constant 0 : i32
      %dma_start3A_286 = tpu.memref_slice %arg8[%dma_start3A_271, %dma_start3A_284, %dma_start3A_285] : memref<4x200x64xf32, #tpu.memory_space<vmem>> -> memref<1x200x64xf32, #tpu.memory_space<vmem>>
      %dma_start3A_287 = tpu.memref_squeeze %dma_start3A_286 : memref<1x200x64xf32, #tpu.memory_space<vmem>> -> memref<200x64xf32, #tpu.memory_space<vmem>>
      tpu.enqueue_dma source(%dma_start3A_287 : memref<200x64xf32, #tpu.memory_space<vmem>>) target(%dma_start3A_283 : memref<200x64xf32, #tpu.memory_space<hbm>>) target_semaphore(%arg14 : memref<!tpu.dma_semaphore, #tpu.memory_space<semaphore_mem>>)
      %mul3A_288 = arith.constant 4 : i32
      %mul3A_289 = arith.muli %mul3A_288, %scan3A_145 : i32
      %add3A_290 = arith.constant 2 : i32
      %add3A_291 = arith.addi %mul3A_289, %add3A_290 : i32
      %add3A_292 = arith.constant 2 : i32
      %add3A_293 = arith.addi %add3A_291, %add3A_292 : i32
      %lt3A_294 = arith.constant 128 : i32
      %lt3A_295 = arith.cmpi slt, %add3A_293, %lt3A_294 : i32
      %convert_element_type3A_296 = arith.extui %lt3A_295 : i1 to i32
      %cond3A_297 = arith.constant 0 : i32
      %cond3A_298 = arith.cmpi ne, %convert_element_type3A_296, %cond3A_297 : i32
      scf.if %cond3A_298 {
        %ge3A = arith.constant 2 : i32
        %ge3A_434 = arith.cmpi sge, %add3A_291, %ge3A : i32
        %convert_element_type3A_435 = arith.extui %ge3A_434 : i1 to i32
        %cond3A_436 = arith.constant 0 : i32
        %cond3A_437 = arith.cmpi ne, %convert_element_type3A_435, %cond3A_436 : i32
        scf.if %cond3A_437 {
          %add3A_462 = arith.addi %mul3A_2, %add3A_291 : i32
          %sub3A_463 = arith.constant 2 : i32
          %sub3A_464 = arith.subi %add3A_462, %sub3A_463 : i32
          %dma_wait3A_465 = arith.constant 0 : i32
          %dma_wait3A_466 = arith.constant 0 : i32
          %dma_wait3A_467 = arith.constant 0 : i32
          %dma_wait3A_468 = tpu.memref_slice %arg8[%dma_wait3A_465, %dma_wait3A_466, %dma_wait3A_467] : memref<4x200x64xf32, #tpu.memory_space<vmem>> -> memref<1x200x64xf32, #tpu.memory_space<vmem>>
          %dma_wait3A_469 = tpu.memref_squeeze %dma_wait3A_468 : memref<1x200x64xf32, #tpu.memory_space<vmem>> -> memref<200x64xf32, #tpu.memory_space<vmem>>
          %dma_wait3A_470 = arith.constant 0 : i32
          %dma_wait3A_471 = arith.constant 0 : i32
          %dma_wait3A_472 = tpu.memref_slice %arg5[%sub3A_464, %dma_wait3A_470, %dma_wait3A_471] : memref<4096x200x64xf32, #tpu.memory_space<hbm>> -> memref<1x200x64xf32, #tpu.memory_space<hbm>>
          %dma_wait3A_473 = tpu.memref_squeeze %dma_wait3A_472 : memref<1x200x64xf32, #tpu.memory_space<hbm>> -> memref<200x64xf32, #tpu.memory_space<hbm>>
          %dma_wait3A_474 = arith.constant 0 : i32
          %dma_wait3A_475 = arith.constant 0 : i32
          %dma_wait3A_476 = tpu.memref_slice %arg5[%sub3A_464, %dma_wait3A_474, %dma_wait3A_475] : memref<4096x200x64xf32, #tpu.memory_space<hbm>> -> memref<1x200x64xf32, #tpu.memory_space<hbm>>
          %dma_wait3A_477 = tpu.memref_squeeze %dma_wait3A_476 : memref<1x200x64xf32, #tpu.memory_space<hbm>> -> memref<200x64xf32, #tpu.memory_space<hbm>>
          %dma_wait3A_478 = arith.constant 0 : i32
          %dma_wait3A_479 = arith.constant 0 : i32
          %dma_wait3A_480 = tpu.memref_slice %arg8[%dma_wait3A_465, %dma_wait3A_478, %dma_wait3A_479] : memref<4x200x64xf32, #tpu.memory_space<vmem>> -> memref<1x200x64xf32, #tpu.memory_space<vmem>>
          %dma_wait3A_481 = tpu.memref_squeeze %dma_wait3A_480 : memref<1x200x64xf32, #tpu.memory_space<vmem>> -> memref<200x64xf32, #tpu.memory_space<vmem>>
          tpu.wait_dma2 semaphore(%arg13 : memref<!tpu.dma_semaphore, #tpu.memory_space<semaphore_mem>>) src(%dma_wait3A_481 : memref<200x64xf32, #tpu.memory_space<vmem>>) dst(%dma_wait3A_477 : memref<200x64xf32, #tpu.memory_space<hbm>>)
        } else {
        }
        %add3A_438 = arith.constant 2 : i32
        %add3A_439 = arith.addi %add3A_291, %add3A_438 : i32
        %dma_start3A_440 = arith.constant 0 : i32
        %dma_start3A_441 = arith.constant 0 : i32
        %dma_start3A_442 = arith.constant 0 : i32
        %dma_start3A_443 = tpu.memref_slice %arg8[%dma_start3A_440, %dma_start3A_441, %dma_start3A_442] : memref<4x200x64xf32, #tpu.memory_space<vmem>> -> memref<1x128x64xf32, #tpu.memory_space<vmem>>
        %dma_start3A_444 = tpu.memref_squeeze %dma_start3A_443 : memref<1x128x64xf32, #tpu.memory_space<vmem>> -> memref<128x64xf32, #tpu.memory_space<vmem>>
        %dma_start3A_445 = arith.constant 0 : i32
        %dma_start3A_446 = tpu.memref_slice %arg6[%add3A_439, %dma_start3A_445] : memref<128x200xi32, #tpu.memory_space<vmem>> -> memref<1x128xi32, #tpu.memory_space<vmem>>
        %dma_start3A_447 = tpu.memref_squeeze %dma_start3A_446 : memref<1x128xi32, #tpu.memory_space<vmem>> -> memref<128xi32, #tpu.memory_space<vmem>>
        %dma_start3A_448 = arith.constant 0 : i32
        %dma_start3A_449 = arith.constant 0 : i32
        %dma_start3A_450 = tpu.memref_slice %arg4[%dma_start3A_448, %dma_start3A_449] : memref<1000000x64xf32, #tpu.memory_space<hbm>> -> memref<1000000x64xf32, #tpu.memory_space<hbm>>
        tpu.enqueue_indirect_dma source(%dma_start3A_450 : memref<1000000x64xf32, #tpu.memory_space<hbm>>) target(%dma_start3A_444 : memref<128x64xf32, #tpu.memory_space<vmem>>) offsets(%dma_start3A_447 : memref<128xi32, #tpu.memory_space<vmem>>) semaphore(%arg9 : memref<!tpu.dma_semaphore, #tpu.memory_space<semaphore_mem>>)
        %dma_start3A_451 = arith.constant 0 : i32
        %dma_start3A_452 = arith.constant 128 : i32
        %dma_start3A_453 = arith.constant 0 : i32
        %dma_start3A_454 = tpu.memref_slice %arg8[%dma_start3A_451, %dma_start3A_452, %dma_start3A_453] : memref<4x200x64xf32, #tpu.memory_space<vmem>> -> memref<1x72x64xf32, #tpu.memory_space<vmem>>
        %dma_start3A_455 = tpu.memref_squeeze %dma_start3A_454 : memref<1x72x64xf32, #tpu.memory_space<vmem>> -> memref<72x64xf32, #tpu.memory_space<vmem>>
        %dma_start3A_456 = arith.constant 128 : i32
        %dma_start3A_457 = tpu.memref_slice %arg6[%add3A_439, %dma_start3A_456] : memref<128x200xi32, #tpu.memory_space<vmem>> -> memref<1x72xi32, #tpu.memory_space<vmem>>
        %dma_start3A_458 = tpu.memref_squeeze %dma_start3A_457 : memref<1x72xi32, #tpu.memory_space<vmem>> -> memref<72xi32, #tpu.memory_space<vmem>>
        %dma_start3A_459 = arith.constant 0 : i32
        %dma_start3A_460 = arith.constant 0 : i32
        %dma_start3A_461 = tpu.memref_slice %arg4[%dma_start3A_459, %dma_start3A_460] : memref<1000000x64xf32, #tpu.memory_space<hbm>> -> memref<1000000x64xf32, #tpu.memory_space<hbm>>
        tpu.enqueue_indirect_dma source(%dma_start3A_461 : memref<1000000x64xf32, #tpu.memory_space<hbm>>) target(%dma_start3A_455 : memref<72x64xf32, #tpu.memory_space<vmem>>) offsets(%dma_start3A_458 : memref<72xi32, #tpu.memory_space<vmem>>) semaphore(%arg9 : memref<!tpu.dma_semaphore, #tpu.memory_space<semaphore_mem>>)
      } else {
      }
      %dma_wait3A_299 = arith.constant 2 : i32
      %dma_wait3A_300 = arith.constant 0 : i32
      %dma_wait3A_301 = arith.constant 0 : i32
      %dma_wait3A_302 = tpu.memref_slice %arg8[%dma_wait3A_299, %dma_wait3A_300, %dma_wait3A_301] : memref<4x200x64xf32, #tpu.memory_space<vmem>> -> memref<1x128x64xf32, #tpu.memory_space<vmem>>
      %dma_wait3A_303 = tpu.memref_squeeze %dma_wait3A_302 : memref<1x128x64xf32, #tpu.memory_space<vmem>> -> memref<128x64xf32, #tpu.memory_space<vmem>>
      %dma_wait3A_304 = arith.constant 0 : i32
      %dma_wait3A_305 = tpu.memref_slice %arg6[%add3A_291, %dma_wait3A_304] : memref<128x200xi32, #tpu.memory_space<vmem>> -> memref<1x128xi32, #tpu.memory_space<vmem>>
      %dma_wait3A_306 = tpu.memref_squeeze %dma_wait3A_305 : memref<1x128xi32, #tpu.memory_space<vmem>> -> memref<128xi32, #tpu.memory_space<vmem>>
      %dma_wait3A_307 = arith.constant 0 : i32
      %dma_wait3A_308 = arith.constant 0 : i32
      %dma_wait3A_309 = tpu.memref_slice %arg4[%dma_wait3A_307, %dma_wait3A_308] : memref<1000000x64xf32, #tpu.memory_space<hbm>> -> memref<1000000x64xf32, #tpu.memory_space<hbm>>
      tpu.wait_indirect_dma semaphore(%arg11 : memref<!tpu.dma_semaphore, #tpu.memory_space<semaphore_mem>>) src(%dma_wait3A_309 : memref<1000000x64xf32, #tpu.memory_space<hbm>>) dst(%dma_wait3A_303 : memref<128x64xf32, #tpu.memory_space<vmem>>)
      %dma_wait3A_310 = arith.constant 2 : i32
      %dma_wait3A_311 = arith.constant 128 : i32
      %dma_wait3A_312 = arith.constant 0 : i32
      %dma_wait3A_313 = tpu.memref_slice %arg8[%dma_wait3A_310, %dma_wait3A_311, %dma_wait3A_312] : memref<4x200x64xf32, #tpu.memory_space<vmem>> -> memref<1x72x64xf32, #tpu.memory_space<vmem>>
      %dma_wait3A_314 = tpu.memref_squeeze %dma_wait3A_313 : memref<1x72x64xf32, #tpu.memory_space<vmem>> -> memref<72x64xf32, #tpu.memory_space<vmem>>
      %dma_wait3A_315 = arith.constant 128 : i32
      %dma_wait3A_316 = tpu.memref_slice %arg6[%add3A_291, %dma_wait3A_315] : memref<128x200xi32, #tpu.memory_space<vmem>> -> memref<1x72xi32, #tpu.memory_space<vmem>>
      %dma_wait3A_317 = tpu.memref_squeeze %dma_wait3A_316 : memref<1x72xi32, #tpu.memory_space<vmem>> -> memref<72xi32, #tpu.memory_space<vmem>>
      %dma_wait3A_318 = arith.constant 0 : i32
      %dma_wait3A_319 = arith.constant 0 : i32
      %dma_wait3A_320 = tpu.memref_slice %arg4[%dma_wait3A_318, %dma_wait3A_319] : memref<1000000x64xf32, #tpu.memory_space<hbm>> -> memref<1000000x64xf32, #tpu.memory_space<hbm>>
      tpu.wait_indirect_dma semaphore(%arg11 : memref<!tpu.dma_semaphore, #tpu.memory_space<semaphore_mem>>) src(%dma_wait3A_320 : memref<1000000x64xf32, #tpu.memory_space<hbm>>) dst(%dma_wait3A_314 : memref<72x64xf32, #tpu.memory_space<vmem>>)
      %get3A_321 = arith.index_cast %add3A_291 : i32 to index
      %get3A_322 = arith.constant 0 : index
      %get3A_323 = tpu.vector_load %arg7[%get3A_321, %get3A_322] {strides = array<i32>} : memref<128x64xf32, #tpu.memory_space<vmem>>, vector<1x16xf32>,
      %get3A_324 = vector.shape_cast %get3A_323 : vector<1x16xf32> to vector<16xf32>
      %get3A_325 = arith.index_cast %add3A_291 : i32 to index
      %get3A_326 = arith.constant 16 : index
      %get3A_327 = tpu.vector_load %arg7[%get3A_325, %get3A_326] {strides = array<i32>} : memref<128x64xf32, #tpu.memory_space<vmem>>, vector<1x16xf32>,
      %get3A_328 = vector.shape_cast %get3A_327 : vector<1x16xf32> to vector<16xf32>
      %get3A_329 = arith.index_cast %add3A_291 : i32 to index
      %get3A_330 = arith.constant 32 : index
      %get3A_331 = tpu.vector_load %arg7[%get3A_329, %get3A_330] {strides = array<i32>} : memref<128x64xf32, #tpu.memory_space<vmem>>, vector<1x16xf32>,
      %get3A_332 = vector.shape_cast %get3A_331 : vector<1x16xf32> to vector<16xf32>
      %get3A_333 = arith.index_cast %add3A_291 : i32 to index
      %get3A_334 = arith.constant 48 : index
      %get3A_335 = tpu.vector_load %arg7[%get3A_333, %get3A_334] {strides = array<i32>} : memref<128x64xf32, #tpu.memory_space<vmem>>, vector<1x16xf32>,
      %get3A_336 = vector.shape_cast %get3A_335 : vector<1x16xf32> to vector<16xf32>
      %scan3A_337 = arith.constant 0 : i32
      %scan3A_338 = arith.constant 0 : i32
      %scan3A_339 = arith.constant 200 : i32
      %scan3A_340 = arith.addi %scan3A_338, %scan3A_339 : i32
      %scan3A_341 = arith.constant 4 : i32
      scf.for %scan3A_434 = %scan3A_338 to %scan3A_340 step %scan3A_341  : i32 {
        %swap3A = arith.constant 2 : i32
        %swap3A_435 = arith.index_cast %swap3A : i32 to index
        %swap3A_436 = arith.index_cast %scan3A_434 : i32 to index
        %swap3A_437 = arith.constant 0 : index
        %swap3A_438 = tpu.vector_load %arg8[%swap3A_435, %swap3A_436, %swap3A_437] {strides = array<i32>} : memref<4x200x64xf32, #tpu.memory_space<vmem>>, vector<1x1x16xf32>,
        %swap3A_439 = vector.shape_cast %swap3A_438 : vector<1x1x16xf32> to vector<16xf32>
        %swap3A_440 = vector.shape_cast %get3A_324 : vector<16xf32> to vector<1x1x16xf32>
        tpu.vector_store %arg8[%swap3A_435, %swap3A_436, %swap3A_437], %swap3A_440 {add = true, strides = array<i32>} : memref<4x200x64xf32, #tpu.memory_space<vmem>>, vector<1x1x16xf32>,
        %swap3A_441 = arith.constant 2 : i32
        %swap3A_442 = arith.index_cast %swap3A_441 : i32 to index
        %swap3A_443 = arith.index_cast %scan3A_434 : i32 to index
        %swap3A_444 = arith.constant 16 : index
        %swap3A_445 = tpu.vector_load %arg8[%swap3A_442, %swap3A_443, %swap3A_444] {strides = array<i32>} : memref<4x200x64xf32, #tpu.memory_space<vmem>>, vector<1x1x16xf32>,
        %swap3A_446 = vector.shape_cast %swap3A_445 : vector<1x1x16xf32> to vector<16xf32>
        %swap3A_447 = vector.shape_cast %get3A_328 : vector<16xf32> to vector<1x1x16xf32>
        tpu.vector_store %arg8[%swap3A_442, %swap3A_443, %swap3A_444], %swap3A_447 {add = true, strides = array<i32>} : memref<4x200x64xf32, #tpu.memory_space<vmem>>, vector<1x1x16xf32>,
        %swap3A_448 = arith.constant 2 : i32
        %swap3A_449 = arith.index_cast %swap3A_448 : i32 to index
        %swap3A_450 = arith.index_cast %scan3A_434 : i32 to index
        %swap3A_451 = arith.constant 32 : index
        %swap3A_452 = tpu.vector_load %arg8[%swap3A_449, %swap3A_450, %swap3A_451] {strides = array<i32>} : memref<4x200x64xf32, #tpu.memory_space<vmem>>, vector<1x1x16xf32>,
        %swap3A_453 = vector.shape_cast %swap3A_452 : vector<1x1x16xf32> to vector<16xf32>
        %swap3A_454 = vector.shape_cast %get3A_332 : vector<16xf32> to vector<1x1x16xf32>
        tpu.vector_store %arg8[%swap3A_449, %swap3A_450, %swap3A_451], %swap3A_454 {add = true, strides = array<i32>} : memref<4x200x64xf32, #tpu.memory_space<vmem>>, vector<1x1x16xf32>,
        %swap3A_455 = arith.constant 2 : i32
        %swap3A_456 = arith.index_cast %swap3A_455 : i32 to index
        %swap3A_457 = arith.index_cast %scan3A_434 : i32 to index
        %swap3A_458 = arith.constant 48 : index
        %swap3A_459 = tpu.vector_load %arg8[%swap3A_456, %swap3A_457, %swap3A_458] {strides = array<i32>} : memref<4x200x64xf32, #tpu.memory_space<vmem>>, vector<1x1x16xf32>,
        %swap3A_460 = vector.shape_cast %swap3A_459 : vector<1x1x16xf32> to vector<16xf32>
        %swap3A_461 = vector.shape_cast %get3A_336 : vector<16xf32> to vector<1x1x16xf32>
        tpu.vector_store %arg8[%swap3A_456, %swap3A_457, %swap3A_458], %swap3A_461 {add = true, strides = array<i32>} : memref<4x200x64xf32, #tpu.memory_space<vmem>>, vector<1x1x16xf32>,
        %scan3A_462 = arith.constant 1 : i32
        %scan3A_463 = arith.addi %scan3A_434, %scan3A_462 : i32
        %swap3A_464 = arith.constant 2 : i32
        %swap3A_465 = arith.index_cast %swap3A_464 : i32 to index
        %swap3A_466 = arith.index_cast %scan3A_463 : i32 to index
        %swap3A_467 = arith.constant 0 : index
        %swap3A_468 = tpu.vector_load %arg8[%swap3A_465, %swap3A_466, %swap3A_467] {strides = array<i32>} : memref<4x200x64xf32, #tpu.memory_space<vmem>>, vector<1x1x16xf32>,
        %swap3A_469 = vector.shape_cast %swap3A_468 : vector<1x1x16xf32> to vector<16xf32>
        %swap3A_470 = vector.shape_cast %get3A_324 : vector<16xf32> to vector<1x1x16xf32>
        tpu.vector_store %arg8[%swap3A_465, %swap3A_466, %swap3A_467], %swap3A_470 {add = true, strides = array<i32>} : memref<4x200x64xf32, #tpu.memory_space<vmem>>, vector<1x1x16xf32>,
        %swap3A_471 = arith.constant 2 : i32
        %swap3A_472 = arith.index_cast %swap3A_471 : i32 to index
        %swap3A_473 = arith.index_cast %scan3A_463 : i32 to index
        %swap3A_474 = arith.constant 16 : index
        %swap3A_475 = tpu.vector_load %arg8[%swap3A_472, %swap3A_473, %swap3A_474] {strides = array<i32>} : memref<4x200x64xf32, #tpu.memory_space<vmem>>, vector<1x1x16xf32>,
        %swap3A_476 = vector.shape_cast %swap3A_475 : vector<1x1x16xf32> to vector<16xf32>
        %swap3A_477 = vector.shape_cast %get3A_328 : vector<16xf32> to vector<1x1x16xf32>
        tpu.vector_store %arg8[%swap3A_472, %swap3A_473, %swap3A_474], %swap3A_477 {add = true, strides = array<i32>} : memref<4x200x64xf32, #tpu.memory_space<vmem>>, vector<1x1x16xf32>,
        %swap3A_478 = arith.constant 2 : i32
        %swap3A_479 = arith.index_cast %swap3A_478 : i32 to index
        %swap3A_480 = arith.index_cast %scan3A_463 : i32 to index
        %swap3A_481 = arith.constant 32 : index
        %swap3A_482 = tpu.vector_load %arg8[%swap3A_479, %swap3A_480, %swap3A_481] {strides = array<i32>} : memref<4x200x64xf32, #tpu.memory_space<vmem>>, vector<1x1x16xf32>,
        %swap3A_483 = vector.shape_cast %swap3A_482 : vector<1x1x16xf32> to vector<16xf32>
        %swap3A_484 = vector.shape_cast %get3A_332 : vector<16xf32> to vector<1x1x16xf32>
        tpu.vector_store %arg8[%swap3A_479, %swap3A_480, %swap3A_481], %swap3A_484 {add = true, strides = array<i32>} : memref<4x200x64xf32, #tpu.memory_space<vmem>>, vector<1x1x16xf32>,
        %swap3A_485 = arith.constant 2 : i32
        %swap3A_486 = arith.index_cast %swap3A_485 : i32 to index
        %swap3A_487 = arith.index_cast %scan3A_463 : i32 to index
        %swap3A_488 = arith.constant 48 : index
        %swap3A_489 = tpu.vector_load %arg8[%swap3A_486, %swap3A_487, %swap3A_488] {strides = array<i32>} : memref<4x200x64xf32, #tpu.memory_space<vmem>>, vector<1x1x16xf32>,
        %swap3A_490 = vector.shape_cast %swap3A_489 : vector<1x1x16xf32> to vector<16xf32>
        %swap3A_491 = vector.shape_cast %get3A_336 : vector<16xf32> to vector<1x1x16xf32>
        tpu.vector_store %arg8[%swap3A_486, %swap3A_487, %swap3A_488], %swap3A_491 {add = true, strides = array<i32>} : memref<4x200x64xf32, #tpu.memory_space<vmem>>, vector<1x1x16xf32>,
        %scan3A_492 = arith.constant 2 : i32
        %scan3A_493 = arith.addi %scan3A_434, %scan3A_492 : i32
        %swap3A_494 = arith.constant 2 : i32
        %swap3A_495 = arith.index_cast %swap3A_494 : i32 to index
        %swap3A_496 = arith.index_cast %scan3A_493 : i32 to index
        %swap3A_497 = arith.constant 0 : index
        %swap3A_498 = tpu.vector_load %arg8[%swap3A_495, %swap3A_496, %swap3A_497] {strides = array<i32>} : memref<4x200x64xf32, #tpu.memory_space<vmem>>, vector<1x1x16xf32>,
        %swap3A_499 = vector.shape_cast %swap3A_498 : vector<1x1x16xf32> to vector<16xf32>
        %swap3A_500 = vector.shape_cast %get3A_324 : vector<16xf32> to vector<1x1x16xf32>
        tpu.vector_store %arg8[%swap3A_495, %swap3A_496, %swap3A_497], %swap3A_500 {add = true, strides = array<i32>} : memref<4x200x64xf32, #tpu.memory_space<vmem>>, vector<1x1x16xf32>,
        %swap3A_501 = arith.constant 2 : i32
        %swap3A_502 = arith.index_cast %swap3A_501 : i32 to index
        %swap3A_503 = arith.index_cast %scan3A_493 : i32 to index
        %swap3A_504 = arith.constant 16 : index
        %swap3A_505 = tpu.vector_load %arg8[%swap3A_502, %swap3A_503, %swap3A_504] {strides = array<i32>} : memref<4x200x64xf32, #tpu.memory_space<vmem>>, vector<1x1x16xf32>,
        %swap3A_506 = vector.shape_cast %swap3A_505 : vector<1x1x16xf32> to vector<16xf32>
        %swap3A_507 = vector.shape_cast %get3A_328 : vector<16xf32> to vector<1x1x16xf32>
        tpu.vector_store %arg8[%swap3A_502, %swap3A_503, %swap3A_504], %swap3A_507 {add = true, strides = array<i32>} : memref<4x200x64xf32, #tpu.memory_space<vmem>>, vector<1x1x16xf32>,
        %swap3A_508 = arith.constant 2 : i32
        %swap3A_509 = arith.index_cast %swap3A_508 : i32 to index
        %swap3A_510 = arith.index_cast %scan3A_493 : i32 to index
        %swap3A_511 = arith.constant 32 : index
        %swap3A_512 = tpu.vector_load %arg8[%swap3A_509, %swap3A_510, %swap3A_511] {strides = array<i32>} : memref<4x200x64xf32, #tpu.memory_space<vmem>>, vector<1x1x16xf32>,
        %swap3A_513 = vector.shape_cast %swap3A_512 : vector<1x1x16xf32> to vector<16xf32>
        %swap3A_514 = vector.shape_cast %get3A_332 : vector<16xf32> to vector<1x1x16xf32>
        tpu.vector_store %arg8[%swap3A_509, %swap3A_510, %swap3A_511], %swap3A_514 {add = true, strides = array<i32>} : memref<4x200x64xf32, #tpu.memory_space<vmem>>, vector<1x1x16xf32>,
        %swap3A_515 = arith.constant 2 : i32
        %swap3A_516 = arith.index_cast %swap3A_515 : i32 to index
        %swap3A_517 = arith.index_cast %scan3A_493 : i32 to index
        %swap3A_518 = arith.constant 48 : index
        %swap3A_519 = tpu.vector_load %arg8[%swap3A_516, %swap3A_517, %swap3A_518] {strides = array<i32>} : memref<4x200x64xf32, #tpu.memory_space<vmem>>, vector<1x1x16xf32>,
        %swap3A_520 = vector.shape_cast %swap3A_519 : vector<1x1x16xf32> to vector<16xf32>
        %swap3A_521 = vector.shape_cast %get3A_336 : vector<16xf32> to vector<1x1x16xf32>
        tpu.vector_store %arg8[%swap3A_516, %swap3A_517, %swap3A_518], %swap3A_521 {add = true, strides = array<i32>} : memref<4x200x64xf32, #tpu.memory_space<vmem>>, vector<1x1x16xf32>,
        %scan3A_522 = arith.constant 3 : i32
        %scan3A_523 = arith.addi %scan3A_434, %scan3A_522 : i32
        %swap3A_524 = arith.constant 2 : i32
        %swap3A_525 = arith.index_cast %swap3A_524 : i32 to index
        %swap3A_526 = arith.index_cast %scan3A_523 : i32 to index
        %swap3A_527 = arith.constant 0 : index
        %swap3A_528 = tpu.vector_load %arg8[%swap3A_525, %swap3A_526, %swap3A_527] {strides = array<i32>} : memref<4x200x64xf32, #tpu.memory_space<vmem>>, vector<1x1x16xf32>,
        %swap3A_529 = vector.shape_cast %swap3A_528 : vector<1x1x16xf32> to vector<16xf32>
        %swap3A_530 = vector.shape_cast %get3A_324 : vector<16xf32> to vector<1x1x16xf32>
        tpu.vector_store %arg8[%swap3A_525, %swap3A_526, %swap3A_527], %swap3A_530 {add = true, strides = array<i32>} : memref<4x200x64xf32, #tpu.memory_space<vmem>>, vector<1x1x16xf32>,
        %swap3A_531 = arith.constant 2 : i32
        %swap3A_532 = arith.index_cast %swap3A_531 : i32 to index
        %swap3A_533 = arith.index_cast %scan3A_523 : i32 to index
        %swap3A_534 = arith.constant 16 : index
        %swap3A_535 = tpu.vector_load %arg8[%swap3A_532, %swap3A_533, %swap3A_534] {strides = array<i32>} : memref<4x200x64xf32, #tpu.memory_space<vmem>>, vector<1x1x16xf32>,
        %swap3A_536 = vector.shape_cast %swap3A_535 : vector<1x1x16xf32> to vector<16xf32>
        %swap3A_537 = vector.shape_cast %get3A_328 : vector<16xf32> to vector<1x1x16xf32>
        tpu.vector_store %arg8[%swap3A_532, %swap3A_533, %swap3A_534], %swap3A_537 {add = true, strides = array<i32>} : memref<4x200x64xf32, #tpu.memory_space<vmem>>, vector<1x1x16xf32>,
        %swap3A_538 = arith.constant 2 : i32
        %swap3A_539 = arith.index_cast %swap3A_538 : i32 to index
        %swap3A_540 = arith.index_cast %scan3A_523 : i32 to index
        %swap3A_541 = arith.constant 32 : index
        %swap3A_542 = tpu.vector_load %arg8[%swap3A_539, %swap3A_540, %swap3A_541] {strides = array<i32>} : memref<4x200x64xf32, #tpu.memory_space<vmem>>, vector<1x1x16xf32>,
        %swap3A_543 = vector.shape_cast %swap3A_542 : vector<1x1x16xf32> to vector<16xf32>
        %swap3A_544 = vector.shape_cast %get3A_332 : vector<16xf32> to vector<1x1x16xf32>
        tpu.vector_store %arg8[%swap3A_539, %swap3A_540, %swap3A_541], %swap3A_544 {add = true, strides = array<i32>} : memref<4x200x64xf32, #tpu.memory_space<vmem>>, vector<1x1x16xf32>,
        %swap3A_545 = arith.constant 2 : i32
        %swap3A_546 = arith.index_cast %swap3A_545 : i32 to index
        %swap3A_547 = arith.index_cast %scan3A_523 : i32 to index
        %swap3A_548 = arith.constant 48 : index
        %swap3A_549 = tpu.vector_load %arg8[%swap3A_546, %swap3A_547, %swap3A_548] {strides = array<i32>} : memref<4x200x64xf32, #tpu.memory_space<vmem>>, vector<1x1x16xf32>,
        %swap3A_550 = vector.shape_cast %swap3A_549 : vector<1x1x16xf32> to vector<16xf32>
        %swap3A_551 = vector.shape_cast %get3A_336 : vector<16xf32> to vector<1x1x16xf32>
        tpu.vector_store %arg8[%swap3A_546, %swap3A_547, %swap3A_548], %swap3A_551 {add = true, strides = array<i32>} : memref<4x200x64xf32, #tpu.memory_space<vmem>>, vector<1x1x16xf32>,
      }
      %scan3A_342 = arith.constant 200 : i32
      %add3A_343 = arith.addi %mul3A_2, %add3A_291 : i32
      %dma_start3A_344 = arith.constant 2 : i32
      %dma_start3A_345 = arith.constant 0 : i32
      %dma_start3A_346 = arith.constant 0 : i32
      %dma_start3A_347 = tpu.memref_slice %arg8[%dma_start3A_344, %dma_start3A_345, %dma_start3A_346] : memref<4x200x64xf32, #tpu.memory_space<vmem>> -> memref<1x200x64xf32, #tpu.memory_space<vmem>>
      %dma_start3A_348 = tpu.memref_squeeze %dma_start3A_347 : memref<1x200x64xf32, #tpu.memory_space<vmem>> -> memref<200x64xf32, #tpu.memory_space<vmem>>
      %dma_start3A_349 = arith.constant 0 : i32
      %dma_start3A_350 = arith.constant 0 : i32
      %dma_start3A_351 = tpu.memref_slice %arg5[%add3A_343, %dma_start3A_349, %dma_start3A_350] : memref<4096x200x64xf32, #tpu.memory_space<hbm>> -> memref<1x200x64xf32, #tpu.memory_space<hbm>>
      %dma_start3A_352 = tpu.memref_squeeze %dma_start3A_351 : memref<1x200x64xf32, #tpu.memory_space<hbm>> -> memref<200x64xf32, #tpu.memory_space<hbm>>
      %dma_start3A_353 = arith.constant 0 : i32
      %dma_start3A_354 = arith.constant 0 : i32
      %dma_start3A_355 = tpu.memref_slice %arg5[%add3A_343, %dma_start3A_353, %dma_start3A_354] : memref<4096x200x64xf32, #tpu.memory_space<hbm>> -> memref<1x200x64xf32, #tpu.memory_space<hbm>>
      %dma_start3A_356 = tpu.memref_squeeze %dma_start3A_355 : memref<1x200x64xf32, #tpu.memory_space<hbm>> -> memref<200x64xf32, #tpu.memory_space<hbm>>
      %dma_start3A_357 = arith.constant 0 : i32
      %dma_start3A_358 = arith.constant 0 : i32
      %dma_start3A_359 = tpu.memref_slice %arg8[%dma_start3A_344, %dma_start3A_357, %dma_start3A_358] : memref<4x200x64xf32, #tpu.memory_space<vmem>> -> memref<1x200x64xf32, #tpu.memory_space<vmem>>
      %dma_start3A_360 = tpu.memref_squeeze %dma_start3A_359 : memref<1x200x64xf32, #tpu.memory_space<vmem>> -> memref<200x64xf32, #tpu.memory_space<vmem>>
      tpu.enqueue_dma source(%dma_start3A_360 : memref<200x64xf32, #tpu.memory_space<vmem>>) target(%dma_start3A_356 : memref<200x64xf32, #tpu.memory_space<hbm>>) target_semaphore(%arg15 : memref<!tpu.dma_semaphore, #tpu.memory_space<semaphore_mem>>)
      %mul3A_361 = arith.constant 4 : i32
      %mul3A_362 = arith.muli %mul3A_361, %scan3A_145 : i32
      %add3A_363 = arith.constant 3 : i32
      %add3A_364 = arith.addi %mul3A_362, %add3A_363 : i32
      %add3A_365 = arith.constant 2 : i32
      %add3A_366 = arith.addi %add3A_364, %add3A_365 : i32
      %lt3A_367 = arith.constant 128 : i32
      %lt3A_368 = arith.cmpi slt, %add3A_366, %lt3A_367 : i32
      %convert_element_type3A_369 = arith.extui %lt3A_368 : i1 to i32
      %cond3A_370 = arith.constant 0 : i32
      %cond3A_371 = arith.cmpi ne, %convert_element_type3A_369, %cond3A_370 : i32
      scf.if %cond3A_371 {
        %ge3A = arith.constant 2 : i32
        %ge3A_434 = arith.cmpi sge, %add3A_364, %ge3A : i32
        %convert_element_type3A_435 = arith.extui %ge3A_434 : i1 to i32
        %cond3A_436 = arith.constant 0 : i32
        %cond3A_437 = arith.cmpi ne, %convert_element_type3A_435, %cond3A_436 : i32
        scf.if %cond3A_437 {
          %add3A_462 = arith.addi %mul3A_2, %add3A_364 : i32
          %sub3A_463 = arith.constant 2 : i32
          %sub3A_464 = arith.subi %add3A_462, %sub3A_463 : i32
          %dma_wait3A_465 = arith.constant 1 : i32
          %dma_wait3A_466 = arith.constant 0 : i32
          %dma_wait3A_467 = arith.constant 0 : i32
          %dma_wait3A_468 = tpu.memref_slice %arg8[%dma_wait3A_465, %dma_wait3A_466, %dma_wait3A_467] : memref<4x200x64xf32, #tpu.memory_space<vmem>> -> memref<1x200x64xf32, #tpu.memory_space<vmem>>
          %dma_wait3A_469 = tpu.memref_squeeze %dma_wait3A_468 : memref<1x200x64xf32, #tpu.memory_space<vmem>> -> memref<200x64xf32, #tpu.memory_space<vmem>>
          %dma_wait3A_470 = arith.constant 0 : i32
          %dma_wait3A_471 = arith.constant 0 : i32
          %dma_wait3A_472 = tpu.memref_slice %arg5[%sub3A_464, %dma_wait3A_470, %dma_wait3A_471] : memref<4096x200x64xf32, #tpu.memory_space<hbm>> -> memref<1x200x64xf32, #tpu.memory_space<hbm>>
          %dma_wait3A_473 = tpu.memref_squeeze %dma_wait3A_472 : memref<1x200x64xf32, #tpu.memory_space<hbm>> -> memref<200x64xf32, #tpu.memory_space<hbm>>
          %dma_wait3A_474 = arith.constant 0 : i32
          %dma_wait3A_475 = arith.constant 0 : i32
          %dma_wait3A_476 = tpu.memref_slice %arg5[%sub3A_464, %dma_wait3A_474, %dma_wait3A_475] : memref<4096x200x64xf32, #tpu.memory_space<hbm>> -> memref<1x200x64xf32, #tpu.memory_space<hbm>>
          %dma_wait3A_477 = tpu.memref_squeeze %dma_wait3A_476 : memref<1x200x64xf32, #tpu.memory_space<hbm>> -> memref<200x64xf32, #tpu.memory_space<hbm>>
          %dma_wait3A_478 = arith.constant 0 : i32
          %dma_wait3A_479 = arith.constant 0 : i32
          %dma_wait3A_480 = tpu.memref_slice %arg8[%dma_wait3A_465, %dma_wait3A_478, %dma_wait3A_479] : memref<4x200x64xf32, #tpu.memory_space<vmem>> -> memref<1x200x64xf32, #tpu.memory_space<vmem>>
          %dma_wait3A_481 = tpu.memref_squeeze %dma_wait3A_480 : memref<1x200x64xf32, #tpu.memory_space<vmem>> -> memref<200x64xf32, #tpu.memory_space<vmem>>
          tpu.wait_dma2 semaphore(%arg14 : memref<!tpu.dma_semaphore, #tpu.memory_space<semaphore_mem>>) src(%dma_wait3A_481 : memref<200x64xf32, #tpu.memory_space<vmem>>) dst(%dma_wait3A_477 : memref<200x64xf32, #tpu.memory_space<hbm>>)
        } else {
        }
        %add3A_438 = arith.constant 2 : i32
        %add3A_439 = arith.addi %add3A_364, %add3A_438 : i32
        %dma_start3A_440 = arith.constant 1 : i32
        %dma_start3A_441 = arith.constant 0 : i32
        %dma_start3A_442 = arith.constant 0 : i32
        %dma_start3A_443 = tpu.memref_slice %arg8[%dma_start3A_440, %dma_start3A_441, %dma_start3A_442] : memref<4x200x64xf32, #tpu.memory_space<vmem>> -> memref<1x128x64xf32, #tpu.memory_space<vmem>>
        %dma_start3A_444 = tpu.memref_squeeze %dma_start3A_443 : memref<1x128x64xf32, #tpu.memory_space<vmem>> -> memref<128x64xf32, #tpu.memory_space<vmem>>
        %dma_start3A_445 = arith.constant 0 : i32
        %dma_start3A_446 = tpu.memref_slice %arg6[%add3A_439, %dma_start3A_445] : memref<128x200xi32, #tpu.memory_space<vmem>> -> memref<1x128xi32, #tpu.memory_space<vmem>>
        %dma_start3A_447 = tpu.memref_squeeze %dma_start3A_446 : memref<1x128xi32, #tpu.memory_space<vmem>> -> memref<128xi32, #tpu.memory_space<vmem>>
        %dma_start3A_448 = arith.constant 0 : i32
        %dma_start3A_449 = arith.constant 0 : i32
        %dma_start3A_450 = tpu.memref_slice %arg4[%dma_start3A_448, %dma_start3A_449] : memref<1000000x64xf32, #tpu.memory_space<hbm>> -> memref<1000000x64xf32, #tpu.memory_space<hbm>>
        tpu.enqueue_indirect_dma source(%dma_start3A_450 : memref<1000000x64xf32, #tpu.memory_space<hbm>>) target(%dma_start3A_444 : memref<128x64xf32, #tpu.memory_space<vmem>>) offsets(%dma_start3A_447 : memref<128xi32, #tpu.memory_space<vmem>>) semaphore(%arg10 : memref<!tpu.dma_semaphore, #tpu.memory_space<semaphore_mem>>)
        %dma_start3A_451 = arith.constant 1 : i32
        %dma_start3A_452 = arith.constant 128 : i32
        %dma_start3A_453 = arith.constant 0 : i32
        %dma_start3A_454 = tpu.memref_slice %arg8[%dma_start3A_451, %dma_start3A_452, %dma_start3A_453] : memref<4x200x64xf32, #tpu.memory_space<vmem>> -> memref<1x72x64xf32, #tpu.memory_space<vmem>>
        %dma_start3A_455 = tpu.memref_squeeze %dma_start3A_454 : memref<1x72x64xf32, #tpu.memory_space<vmem>> -> memref<72x64xf32, #tpu.memory_space<vmem>>
        %dma_start3A_456 = arith.constant 128 : i32
        %dma_start3A_457 = tpu.memref_slice %arg6[%add3A_439, %dma_start3A_456] : memref<128x200xi32, #tpu.memory_space<vmem>> -> memref<1x72xi32, #tpu.memory_space<vmem>>
        %dma_start3A_458 = tpu.memref_squeeze %dma_start3A_457 : memref<1x72xi32, #tpu.memory_space<vmem>> -> memref<72xi32, #tpu.memory_space<vmem>>
        %dma_start3A_459 = arith.constant 0 : i32
        %dma_start3A_460 = arith.constant 0 : i32
        %dma_start3A_461 = tpu.memref_slice %arg4[%dma_start3A_459, %dma_start3A_460] : memref<1000000x64xf32, #tpu.memory_space<hbm>> -> memref<1000000x64xf32, #tpu.memory_space<hbm>>
        tpu.enqueue_indirect_dma source(%dma_start3A_461 : memref<1000000x64xf32, #tpu.memory_space<hbm>>) target(%dma_start3A_455 : memref<72x64xf32, #tpu.memory_space<vmem>>) offsets(%dma_start3A_458 : memref<72xi32, #tpu.memory_space<vmem>>) semaphore(%arg10 : memref<!tpu.dma_semaphore, #tpu.memory_space<semaphore_mem>>)
      } else {
      }
      %dma_wait3A_372 = arith.constant 3 : i32
      %dma_wait3A_373 = arith.constant 0 : i32
      %dma_wait3A_374 = arith.constant 0 : i32
      %dma_wait3A_375 = tpu.memref_slice %arg8[%dma_wait3A_372, %dma_wait3A_373, %dma_wait3A_374] : memref<4x200x64xf32, #tpu.memory_space<vmem>> -> memref<1x128x64xf32, #tpu.memory_space<vmem>>
      %dma_wait3A_376 = tpu.memref_squeeze %dma_wait3A_375 : memref<1x128x64xf32, #tpu.memory_space<vmem>> -> memref<128x64xf32, #tpu.memory_space<vmem>>
      %dma_wait3A_377 = arith.constant 0 : i32
      %dma_wait3A_378 = tpu.memref_slice %arg6[%add3A_364, %dma_wait3A_377] : memref<128x200xi32, #tpu.memory_space<vmem>> -> memref<1x128xi32, #tpu.memory_space<vmem>>
      %dma_wait3A_379 = tpu.memref_squeeze %dma_wait3A_378 : memref<1x128xi32, #tpu.memory_space<vmem>> -> memref<128xi32, #tpu.memory_space<vmem>>
      %dma_wait3A_380 = arith.constant 0 : i32
      %dma_wait3A_381 = arith.constant 0 : i32
      %dma_wait3A_382 = tpu.memref_slice %arg4[%dma_wait3A_380, %dma_wait3A_381] : memref<1000000x64xf32, #tpu.memory_space<hbm>> -> memref<1000000x64xf32, #tpu.memory_space<hbm>>
      tpu.wait_indirect_dma semaphore(%arg12 : memref<!tpu.dma_semaphore, #tpu.memory_space<semaphore_mem>>) src(%dma_wait3A_382 : memref<1000000x64xf32, #tpu.memory_space<hbm>>) dst(%dma_wait3A_376 : memref<128x64xf32, #tpu.memory_space<vmem>>)
      %dma_wait3A_383 = arith.constant 3 : i32
      %dma_wait3A_384 = arith.constant 128 : i32
      %dma_wait3A_385 = arith.constant 0 : i32
      %dma_wait3A_386 = tpu.memref_slice %arg8[%dma_wait3A_383, %dma_wait3A_384, %dma_wait3A_385] : memref<4x200x64xf32, #tpu.memory_space<vmem>> -> memref<1x72x64xf32, #tpu.memory_space<vmem>>
      %dma_wait3A_387 = tpu.memref_squeeze %dma_wait3A_386 : memref<1x72x64xf32, #tpu.memory_space<vmem>> -> memref<72x64xf32, #tpu.memory_space<vmem>>
      %dma_wait3A_388 = arith.constant 128 : i32
      %dma_wait3A_389 = tpu.memref_slice %arg6[%add3A_364, %dma_wait3A_388] : memref<128x200xi32, #tpu.memory_space<vmem>> -> memref<1x72xi32, #tpu.memory_space<vmem>>
      %dma_wait3A_390 = tpu.memref_squeeze %dma_wait3A_389 : memref<1x72xi32, #tpu.memory_space<vmem>> -> memref<72xi32, #tpu.memory_space<vmem>>
      %dma_wait3A_391 = arith.constant 0 : i32
      %dma_wait3A_392 = arith.constant 0 : i32
      %dma_wait3A_393 = tpu.memref_slice %arg4[%dma_wait3A_391, %dma_wait3A_392] : memref<1000000x64xf32, #tpu.memory_space<hbm>> -> memref<1000000x64xf32, #tpu.memory_space<hbm>>
      tpu.wait_indirect_dma semaphore(%arg12 : memref<!tpu.dma_semaphore, #tpu.memory_space<semaphore_mem>>) src(%dma_wait3A_393 : memref<1000000x64xf32, #tpu.memory_space<hbm>>) dst(%dma_wait3A_387 : memref<72x64xf32, #tpu.memory_space<vmem>>)
      %get3A_394 = arith.index_cast %add3A_364 : i32 to index
      %get3A_395 = arith.constant 0 : index
      %get3A_396 = tpu.vector_load %arg7[%get3A_394, %get3A_395] {strides = array<i32>} : memref<128x64xf32, #tpu.memory_space<vmem>>, vector<1x16xf32>,
      %get3A_397 = vector.shape_cast %get3A_396 : vector<1x16xf32> to vector<16xf32>
      %get3A_398 = arith.index_cast %add3A_364 : i32 to index
      %get3A_399 = arith.constant 16 : index
      %get3A_400 = tpu.vector_load %arg7[%get3A_398, %get3A_399] {strides = array<i32>} : memref<128x64xf32, #tpu.memory_space<vmem>>, vector<1x16xf32>,
      %get3A_401 = vector.shape_cast %get3A_400 : vector<1x16xf32> to vector<16xf32>
      %get3A_402 = arith.index_cast %add3A_364 : i32 to index
      %get3A_403 = arith.constant 32 : index
      %get3A_404 = tpu.vector_load %arg7[%get3A_402, %get3A_403] {strides = array<i32>} : memref<128x64xf32, #tpu.memory_space<vmem>>, vector<1x16xf32>,
      %get3A_405 = vector.shape_cast %get3A_404 : vector<1x16xf32> to vector<16xf32>
      %get3A_406 = arith.index_cast %add3A_364 : i32 to index
      %get3A_407 = arith.constant 48 : index
      %get3A_408 = tpu.vector_load %arg7[%get3A_406, %get3A_407] {strides = array<i32>} : memref<128x64xf32, #tpu.memory_space<vmem>>, vector<1x16xf32>,
      %get3A_409 = vector.shape_cast %get3A_408 : vector<1x16xf32> to vector<16xf32>
      %scan3A_410 = arith.constant 0 : i32
      %scan3A_411 = arith.constant 0 : i32
      %scan3A_412 = arith.constant 200 : i32
      %scan3A_413 = arith.addi %scan3A_411, %scan3A_412 : i32
      %scan3A_414 = arith.constant 4 : i32
      scf.for %scan3A_434 = %scan3A_411 to %scan3A_413 step %scan3A_414  : i32 {
        %swap3A = arith.constant 3 : i32
        %swap3A_435 = arith.index_cast %swap3A : i32 to index
        %swap3A_436 = arith.index_cast %scan3A_434 : i32 to index
        %swap3A_437 = arith.constant 0 : index
        %swap3A_438 = tpu.vector_load %arg8[%swap3A_435, %swap3A_436, %swap3A_437] {strides = array<i32>} : memref<4x200x64xf32, #tpu.memory_space<vmem>>, vector<1x1x16xf32>,
        %swap3A_439 = vector.shape_cast %swap3A_438 : vector<1x1x16xf32> to vector<16xf32>
        %swap3A_440 = vector.shape_cast %get3A_397 : vector<16xf32> to vector<1x1x16xf32>
        tpu.vector_store %arg8[%swap3A_435, %swap3A_436, %swap3A_437], %swap3A_440 {add = true, strides = array<i32>} : memref<4x200x64xf32, #tpu.memory_space<vmem>>, vector<1x1x16xf32>,
        %swap3A_441 = arith.constant 3 : i32
        %swap3A_442 = arith.index_cast %swap3A_441 : i32 to index
        %swap3A_443 = arith.index_cast %scan3A_434 : i32 to index
        %swap3A_444 = arith.constant 16 : index
        %swap3A_445 = tpu.vector_load %arg8[%swap3A_442, %swap3A_443, %swap3A_444] {strides = array<i32>} : memref<4x200x64xf32, #tpu.memory_space<vmem>>, vector<1x1x16xf32>,
        %swap3A_446 = vector.shape_cast %swap3A_445 : vector<1x1x16xf32> to vector<16xf32>
        %swap3A_447 = vector.shape_cast %get3A_401 : vector<16xf32> to vector<1x1x16xf32>
        tpu.vector_store %arg8[%swap3A_442, %swap3A_443, %swap3A_444], %swap3A_447 {add = true, strides = array<i32>} : memref<4x200x64xf32, #tpu.memory_space<vmem>>, vector<1x1x16xf32>,
        %swap3A_448 = arith.constant 3 : i32
        %swap3A_449 = arith.index_cast %swap3A_448 : i32 to index
        %swap3A_450 = arith.index_cast %scan3A_434 : i32 to index
        %swap3A_451 = arith.constant 32 : index
        %swap3A_452 = tpu.vector_load %arg8[%swap3A_449, %swap3A_450, %swap3A_451] {strides = array<i32>} : memref<4x200x64xf32, #tpu.memory_space<vmem>>, vector<1x1x16xf32>,
        %swap3A_453 = vector.shape_cast %swap3A_452 : vector<1x1x16xf32> to vector<16xf32>
        %swap3A_454 = vector.shape_cast %get3A_405 : vector<16xf32> to vector<1x1x16xf32>
        tpu.vector_store %arg8[%swap3A_449, %swap3A_450, %swap3A_451], %swap3A_454 {add = true, strides = array<i32>} : memref<4x200x64xf32, #tpu.memory_space<vmem>>, vector<1x1x16xf32>,
        %swap3A_455 = arith.constant 3 : i32
        %swap3A_456 = arith.index_cast %swap3A_455 : i32 to index
        %swap3A_457 = arith.index_cast %scan3A_434 : i32 to index
        %swap3A_458 = arith.constant 48 : index
        %swap3A_459 = tpu.vector_load %arg8[%swap3A_456, %swap3A_457, %swap3A_458] {strides = array<i32>} : memref<4x200x64xf32, #tpu.memory_space<vmem>>, vector<1x1x16xf32>,
        %swap3A_460 = vector.shape_cast %swap3A_459 : vector<1x1x16xf32> to vector<16xf32>
        %swap3A_461 = vector.shape_cast %get3A_409 : vector<16xf32> to vector<1x1x16xf32>
        tpu.vector_store %arg8[%swap3A_456, %swap3A_457, %swap3A_458], %swap3A_461 {add = true, strides = array<i32>} : memref<4x200x64xf32, #tpu.memory_space<vmem>>, vector<1x1x16xf32>,
        %scan3A_462 = arith.constant 1 : i32
        %scan3A_463 = arith.addi %scan3A_434, %scan3A_462 : i32
        %swap3A_464 = arith.constant 3 : i32
        %swap3A_465 = arith.index_cast %swap3A_464 : i32 to index
        %swap3A_466 = arith.index_cast %scan3A_463 : i32 to index
        %swap3A_467 = arith.constant 0 : index
        %swap3A_468 = tpu.vector_load %arg8[%swap3A_465, %swap3A_466, %swap3A_467] {strides = array<i32>} : memref<4x200x64xf32, #tpu.memory_space<vmem>>, vector<1x1x16xf32>,
        %swap3A_469 = vector.shape_cast %swap3A_468 : vector<1x1x16xf32> to vector<16xf32>
        %swap3A_470 = vector.shape_cast %get3A_397 : vector<16xf32> to vector<1x1x16xf32>
        tpu.vector_store %arg8[%swap3A_465, %swap3A_466, %swap3A_467], %swap3A_470 {add = true, strides = array<i32>} : memref<4x200x64xf32, #tpu.memory_space<vmem>>, vector<1x1x16xf32>,
        %swap3A_471 = arith.constant 3 : i32
        %swap3A_472 = arith.index_cast %swap3A_471 : i32 to index
        %swap3A_473 = arith.index_cast %scan3A_463 : i32 to index
        %swap3A_474 = arith.constant 16 : index
        %swap3A_475 = tpu.vector_load %arg8[%swap3A_472, %swap3A_473, %swap3A_474] {strides = array<i32>} : memref<4x200x64xf32, #tpu.memory_space<vmem>>, vector<1x1x16xf32>,
        %swap3A_476 = vector.shape_cast %swap3A_475 : vector<1x1x16xf32> to vector<16xf32>
        %swap3A_477 = vector.shape_cast %get3A_401 : vector<16xf32> to vector<1x1x16xf32>
        tpu.vector_store %arg8[%swap3A_472, %swap3A_473, %swap3A_474], %swap3A_477 {add = true, strides = array<i32>} : memref<4x200x64xf32, #tpu.memory_space<vmem>>, vector<1x1x16xf32>,
        %swap3A_478 = arith.constant 3 : i32
        %swap3A_479 = arith.index_cast %swap3A_478 : i32 to index
        %swap3A_480 = arith.index_cast %scan3A_463 : i32 to index
        %swap3A_481 = arith.constant 32 : index
        %swap3A_482 = tpu.vector_load %arg8[%swap3A_479, %swap3A_480, %swap3A_481] {strides = array<i32>} : memref<4x200x64xf32, #tpu.memory_space<vmem>>, vector<1x1x16xf32>,
        %swap3A_483 = vector.shape_cast %swap3A_482 : vector<1x1x16xf32> to vector<16xf32>
        %swap3A_484 = vector.shape_cast %get3A_405 : vector<16xf32> to vector<1x1x16xf32>
        tpu.vector_store %arg8[%swap3A_479, %swap3A_480, %swap3A_481], %swap3A_484 {add = true, strides = array<i32>} : memref<4x200x64xf32, #tpu.memory_space<vmem>>, vector<1x1x16xf32>,
        %swap3A_485 = arith.constant 3 : i32
        %swap3A_486 = arith.index_cast %swap3A_485 : i32 to index
        %swap3A_487 = arith.index_cast %scan3A_463 : i32 to index
        %swap3A_488 = arith.constant 48 : index
        %swap3A_489 = tpu.vector_load %arg8[%swap3A_486, %swap3A_487, %swap3A_488] {strides = array<i32>} : memref<4x200x64xf32, #tpu.memory_space<vmem>>, vector<1x1x16xf32>,
        %swap3A_490 = vector.shape_cast %swap3A_489 : vector<1x1x16xf32> to vector<16xf32>
        %swap3A_491 = vector.shape_cast %get3A_409 : vector<16xf32> to vector<1x1x16xf32>
        tpu.vector_store %arg8[%swap3A_486, %swap3A_487, %swap3A_488], %swap3A_491 {add = true, strides = array<i32>} : memref<4x200x64xf32, #tpu.memory_space<vmem>>, vector<1x1x16xf32>,
        %scan3A_492 = arith.constant 2 : i32
        %scan3A_493 = arith.addi %scan3A_434, %scan3A_492 : i32
        %swap3A_494 = arith.constant 3 : i32
        %swap3A_495 = arith.index_cast %swap3A_494 : i32 to index
        %swap3A_496 = arith.index_cast %scan3A_493 : i32 to index
        %swap3A_497 = arith.constant 0 : index
        %swap3A_498 = tpu.vector_load %arg8[%swap3A_495, %swap3A_496, %swap3A_497] {strides = array<i32>} : memref<4x200x64xf32, #tpu.memory_space<vmem>>, vector<1x1x16xf32>,
        %swap3A_499 = vector.shape_cast %swap3A_498 : vector<1x1x16xf32> to vector<16xf32>
        %swap3A_500 = vector.shape_cast %get3A_397 : vector<16xf32> to vector<1x1x16xf32>
        tpu.vector_store %arg8[%swap3A_495, %swap3A_496, %swap3A_497], %swap3A_500 {add = true, strides = array<i32>} : memref<4x200x64xf32, #tpu.memory_space<vmem>>, vector<1x1x16xf32>,
        %swap3A_501 = arith.constant 3 : i32
        %swap3A_502 = arith.index_cast %swap3A_501 : i32 to index
        %swap3A_503 = arith.index_cast %scan3A_493 : i32 to index
        %swap3A_504 = arith.constant 16 : index
        %swap3A_505 = tpu.vector_load %arg8[%swap3A_502, %swap3A_503, %swap3A_504] {strides = array<i32>} : memref<4x200x64xf32, #tpu.memory_space<vmem>>, vector<1x1x16xf32>,
        %swap3A_506 = vector.shape_cast %swap3A_505 : vector<1x1x16xf32> to vector<16xf32>
        %swap3A_507 = vector.shape_cast %get3A_401 : vector<16xf32> to vector<1x1x16xf32>
        tpu.vector_store %arg8[%swap3A_502, %swap3A_503, %swap3A_504], %swap3A_507 {add = true, strides = array<i32>} : memref<4x200x64xf32, #tpu.memory_space<vmem>>, vector<1x1x16xf32>,
        %swap3A_508 = arith.constant 3 : i32
        %swap3A_509 = arith.index_cast %swap3A_508 : i32 to index
        %swap3A_510 = arith.index_cast %scan3A_493 : i32 to index
        %swap3A_511 = arith.constant 32 : index
        %swap3A_512 = tpu.vector_load %arg8[%swap3A_509, %swap3A_510, %swap3A_511] {strides = array<i32>} : memref<4x200x64xf32, #tpu.memory_space<vmem>>, vector<1x1x16xf32>,
        %swap3A_513 = vector.shape_cast %swap3A_512 : vector<1x1x16xf32> to vector<16xf32>
        %swap3A_514 = vector.shape_cast %get3A_405 : vector<16xf32> to vector<1x1x16xf32>
        tpu.vector_store %arg8[%swap3A_509, %swap3A_510, %swap3A_511], %swap3A_514 {add = true, strides = array<i32>} : memref<4x200x64xf32, #tpu.memory_space<vmem>>, vector<1x1x16xf32>,
        %swap3A_515 = arith.constant 3 : i32
        %swap3A_516 = arith.index_cast %swap3A_515 : i32 to index
        %swap3A_517 = arith.index_cast %scan3A_493 : i32 to index
        %swap3A_518 = arith.constant 48 : index
        %swap3A_519 = tpu.vector_load %arg8[%swap3A_516, %swap3A_517, %swap3A_518] {strides = array<i32>} : memref<4x200x64xf32, #tpu.memory_space<vmem>>, vector<1x1x16xf32>,
        %swap3A_520 = vector.shape_cast %swap3A_519 : vector<1x1x16xf32> to vector<16xf32>
        %swap3A_521 = vector.shape_cast %get3A_409 : vector<16xf32> to vector<1x1x16xf32>
        tpu.vector_store %arg8[%swap3A_516, %swap3A_517, %swap3A_518], %swap3A_521 {add = true, strides = array<i32>} : memref<4x200x64xf32, #tpu.memory_space<vmem>>, vector<1x1x16xf32>,
        %scan3A_522 = arith.constant 3 : i32
        %scan3A_523 = arith.addi %scan3A_434, %scan3A_522 : i32
        %swap3A_524 = arith.constant 3 : i32
        %swap3A_525 = arith.index_cast %swap3A_524 : i32 to index
        %swap3A_526 = arith.index_cast %scan3A_523 : i32 to index
        %swap3A_527 = arith.constant 0 : index
        %swap3A_528 = tpu.vector_load %arg8[%swap3A_525, %swap3A_526, %swap3A_527] {strides = array<i32>} : memref<4x200x64xf32, #tpu.memory_space<vmem>>, vector<1x1x16xf32>,
        %swap3A_529 = vector.shape_cast %swap3A_528 : vector<1x1x16xf32> to vector<16xf32>
        %swap3A_530 = vector.shape_cast %get3A_397 : vector<16xf32> to vector<1x1x16xf32>
        tpu.vector_store %arg8[%swap3A_525, %swap3A_526, %swap3A_527], %swap3A_530 {add = true, strides = array<i32>} : memref<4x200x64xf32, #tpu.memory_space<vmem>>, vector<1x1x16xf32>,
        %swap3A_531 = arith.constant 3 : i32
        %swap3A_532 = arith.index_cast %swap3A_531 : i32 to index
        %swap3A_533 = arith.index_cast %scan3A_523 : i32 to index
        %swap3A_534 = arith.constant 16 : index
        %swap3A_535 = tpu.vector_load %arg8[%swap3A_532, %swap3A_533, %swap3A_534] {strides = array<i32>} : memref<4x200x64xf32, #tpu.memory_space<vmem>>, vector<1x1x16xf32>,
        %swap3A_536 = vector.shape_cast %swap3A_535 : vector<1x1x16xf32> to vector<16xf32>
        %swap3A_537 = vector.shape_cast %get3A_401 : vector<16xf32> to vector<1x1x16xf32>
        tpu.vector_store %arg8[%swap3A_532, %swap3A_533, %swap3A_534], %swap3A_537 {add = true, strides = array<i32>} : memref<4x200x64xf32, #tpu.memory_space<vmem>>, vector<1x1x16xf32>,
        %swap3A_538 = arith.constant 3 : i32
        %swap3A_539 = arith.index_cast %swap3A_538 : i32 to index
        %swap3A_540 = arith.index_cast %scan3A_523 : i32 to index
        %swap3A_541 = arith.constant 32 : index
        %swap3A_542 = tpu.vector_load %arg8[%swap3A_539, %swap3A_540, %swap3A_541] {strides = array<i32>} : memref<4x200x64xf32, #tpu.memory_space<vmem>>, vector<1x1x16xf32>,
        %swap3A_543 = vector.shape_cast %swap3A_542 : vector<1x1x16xf32> to vector<16xf32>
        %swap3A_544 = vector.shape_cast %get3A_405 : vector<16xf32> to vector<1x1x16xf32>
        tpu.vector_store %arg8[%swap3A_539, %swap3A_540, %swap3A_541], %swap3A_544 {add = true, strides = array<i32>} : memref<4x200x64xf32, #tpu.memory_space<vmem>>, vector<1x1x16xf32>,
        %swap3A_545 = arith.constant 3 : i32
        %swap3A_546 = arith.index_cast %swap3A_545 : i32 to index
        %swap3A_547 = arith.index_cast %scan3A_523 : i32 to index
        %swap3A_548 = arith.constant 48 : index
        %swap3A_549 = tpu.vector_load %arg8[%swap3A_546, %swap3A_547, %swap3A_548] {strides = array<i32>} : memref<4x200x64xf32, #tpu.memory_space<vmem>>, vector<1x1x16xf32>,
        %swap3A_550 = vector.shape_cast %swap3A_549 : vector<1x1x16xf32> to vector<16xf32>
        %swap3A_551 = vector.shape_cast %get3A_409 : vector<16xf32> to vector<1x1x16xf32>
        tpu.vector_store %arg8[%swap3A_546, %swap3A_547, %swap3A_548], %swap3A_551 {add = true, strides = array<i32>} : memref<4x200x64xf32, #tpu.memory_space<vmem>>, vector<1x1x16xf32>,
      }
      %scan3A_415 = arith.constant 200 : i32
      %add3A_416 = arith.addi %mul3A_2, %add3A_364 : i32
      %dma_start3A_417 = arith.constant 3 : i32
      %dma_start3A_418 = arith.constant 0 : i32
      %dma_start3A_419 = arith.constant 0 : i32
      %dma_start3A_420 = tpu.memref_slice %arg8[%dma_start3A_417, %dma_start3A_418, %dma_start3A_419] : memref<4x200x64xf32, #tpu.memory_space<vmem>> -> memref<1x200x64xf32, #tpu.memory_space<vmem>>
      %dma_start3A_421 = tpu.memref_squeeze %dma_start3A_420 : memref<1x200x64xf32, #tpu.memory_space<vmem>> -> memref<200x64xf32, #tpu.memory_space<vmem>>
      %dma_start3A_422 = arith.constant 0 : i32
      %dma_start3A_423 = arith.constant 0 : i32
      %dma_start3A_424 = tpu.memref_slice %arg5[%add3A_416, %dma_start3A_422, %dma_start3A_423] : memref<4096x200x64xf32, #tpu.memory_space<hbm>> -> memref<1x200x64xf32, #tpu.memory_space<hbm>>
      %dma_start3A_425 = tpu.memref_squeeze %dma_start3A_424 : memref<1x200x64xf32, #tpu.memory_space<hbm>> -> memref<200x64xf32, #tpu.memory_space<hbm>>
      %dma_start3A_426 = arith.constant 0 : i32
      %dma_start3A_427 = arith.constant 0 : i32
      %dma_start3A_428 = tpu.memref_slice %arg5[%add3A_416, %dma_start3A_426, %dma_start3A_427] : memref<4096x200x64xf32, #tpu.memory_space<hbm>> -> memref<1x200x64xf32, #tpu.memory_space<hbm>>
      %dma_start3A_429 = tpu.memref_squeeze %dma_start3A_428 : memref<1x200x64xf32, #tpu.memory_space<hbm>> -> memref<200x64xf32, #tpu.memory_space<hbm>>
      %dma_start3A_430 = arith.constant 0 : i32
      %dma_start3A_431 = arith.constant 0 : i32
      %dma_start3A_432 = tpu.memref_slice %arg8[%dma_start3A_417, %dma_start3A_430, %dma_start3A_431] : memref<4x200x64xf32, #tpu.memory_space<vmem>> -> memref<1x200x64xf32, #tpu.memory_space<vmem>>
      %dma_start3A_433 = tpu.memref_squeeze %dma_start3A_432 : memref<1x200x64xf32, #tpu.memory_space<vmem>> -> memref<200x64xf32, #tpu.memory_space<vmem>>
      tpu.enqueue_dma source(%dma_start3A_433 : memref<200x64xf32, #tpu.memory_space<vmem>>) target(%dma_start3A_429 : memref<200x64xf32, #tpu.memory_space<hbm>>) target_semaphore(%arg16 : memref<!tpu.dma_semaphore, #tpu.memory_space<semaphore_mem>>)
    }
    %scan3A_54 = arith.constant 32 : i32
    %add3A_55 = arith.constant 128 : i32
    %add3A_56 = arith.addi %mul3A_2, %add3A_55 : i32
    %sub3A = arith.constant 4 : i32
    %sub3A_57 = arith.subi %add3A_56, %sub3A : i32
    %add3A_58 = arith.constant 0 : i32
    %add3A_59 = arith.addi %sub3A_57, %add3A_58 : i32
    %dma_wait3A = arith.constant 0 : i32
    %dma_wait3A_60 = arith.constant 0 : i32
    %dma_wait3A_61 = arith.constant 0 : i32
    %dma_wait3A_62 = tpu.memref_slice %arg8[%dma_wait3A, %dma_wait3A_60, %dma_wait3A_61] : memref<4x200x64xf32, #tpu.memory_space<vmem>> -> memref<1x200x64xf32, #tpu.memory_space<vmem>>
    %dma_wait3A_63 = tpu.memref_squeeze %dma_wait3A_62 : memref<1x200x64xf32, #tpu.memory_space<vmem>> -> memref<200x64xf32, #tpu.memory_space<vmem>>
    %dma_wait3A_64 = arith.constant 0 : i32
    %dma_wait3A_65 = arith.constant 0 : i32
    %dma_wait3A_66 = tpu.memref_slice %arg5[%add3A_59, %dma_wait3A_64, %dma_wait3A_65] : memref<4096x200x64xf32, #tpu.memory_space<hbm>> -> memref<1x200x64xf32, #tpu.memory_space<hbm>>
    %dma_wait3A_67 = tpu.memref_squeeze %dma_wait3A_66 : memref<1x200x64xf32, #tpu.memory_space<hbm>> -> memref<200x64xf32, #tpu.memory_space<hbm>>
    %dma_wait3A_68 = arith.constant 0 : i32
    %dma_wait3A_69 = arith.constant 0 : i32
    %dma_wait3A_70 = tpu.memref_slice %arg5[%add3A_59, %dma_wait3A_68, %dma_wait3A_69] : memref<4096x200x64xf32, #tpu.memory_space<hbm>> -> memref<1x200x64xf32, #tpu.memory_space<hbm>>
    %dma_wait3A_71 = tpu.memref_squeeze %dma_wait3A_70 : memref<1x200x64xf32, #tpu.memory_space<hbm>> -> memref<200x64xf32, #tpu.memory_space<hbm>>
    %dma_wait3A_72 = arith.constant 0 : i32
    %dma_wait3A_73 = arith.constant 0 : i32
    %dma_wait3A_74 = tpu.memref_slice %arg8[%dma_wait3A, %dma_wait3A_72, %dma_wait3A_73] : memref<4x200x64xf32, #tpu.memory_space<vmem>> -> memref<1x200x64xf32, #tpu.memory_space<vmem>>
    %dma_wait3A_75 = tpu.memref_squeeze %dma_wait3A_74 : memref<1x200x64xf32, #tpu.memory_space<vmem>> -> memref<200x64xf32, #tpu.memory_space<vmem>>
    tpu.wait_dma2 semaphore(%arg13 : memref<!tpu.dma_semaphore, #tpu.memory_space<semaphore_mem>>) src(%dma_wait3A_75 : memref<200x64xf32, #tpu.memory_space<vmem>>) dst(%dma_wait3A_71 : memref<200x64xf32, #tpu.memory_space<hbm>>)
    %add3A_76 = arith.constant 128 : i32
    %add3A_77 = arith.addi %mul3A_2, %add3A_76 : i32
    %sub3A_78 = arith.constant 4 : i32
    %sub3A_79 = arith.subi %add3A_77, %sub3A_78 : i32
    %add3A_80 = arith.constant 1 : i32
    %add3A_81 = arith.addi %sub3A_79, %add3A_80 : i32
    %dma_wait3A_82 = arith.constant 1 : i32
    %dma_wait3A_83 = arith.constant 0 : i32
    %dma_wait3A_84 = arith.constant 0 : i32
    %dma_wait3A_85 = tpu.memref_slice %arg8[%dma_wait3A_82, %dma_wait3A_83, %dma_wait3A_84] : memref<4x200x64xf32, #tpu.memory_space<vmem>> -> memref<1x200x64xf32, #tpu.memory_space<vmem>>
    %dma_wait3A_86 = tpu.memref_squeeze %dma_wait3A_85 : memref<1x200x64xf32, #tpu.memory_space<vmem>> -> memref<200x64xf32, #tpu.memory_space<vmem>>
    %dma_wait3A_87 = arith.constant 0 : i32
    %dma_wait3A_88 = arith.constant 0 : i32
    %dma_wait3A_89 = tpu.memref_slice %arg5[%add3A_81, %dma_wait3A_87, %dma_wait3A_88] : memref<4096x200x64xf32, #tpu.memory_space<hbm>> -> memref<1x200x64xf32, #tpu.memory_space<hbm>>
    %dma_wait3A_90 = tpu.memref_squeeze %dma_wait3A_89 : memref<1x200x64xf32, #tpu.memory_space<hbm>> -> memref<200x64xf32, #tpu.memory_space<hbm>>
    %dma_wait3A_91 = arith.constant 0 : i32
    %dma_wait3A_92 = arith.constant 0 : i32
    %dma_wait3A_93 = tpu.memref_slice %arg5[%add3A_81, %dma_wait3A_91, %dma_wait3A_92] : memref<4096x200x64xf32, #tpu.memory_space<hbm>> -> memref<1x200x64xf32, #tpu.memory_space<hbm>>
    %dma_wait3A_94 = tpu.memref_squeeze %dma_wait3A_93 : memref<1x200x64xf32, #tpu.memory_space<hbm>> -> memref<200x64xf32, #tpu.memory_space<hbm>>
    %dma_wait3A_95 = arith.constant 0 : i32
    %dma_wait3A_96 = arith.constant 0 : i32
    %dma_wait3A_97 = tpu.memref_slice %arg8[%dma_wait3A_82, %dma_wait3A_95, %dma_wait3A_96] : memref<4x200x64xf32, #tpu.memory_space<vmem>> -> memref<1x200x64xf32, #tpu.memory_space<vmem>>
    %dma_wait3A_98 = tpu.memref_squeeze %dma_wait3A_97 : memref<1x200x64xf32, #tpu.memory_space<vmem>> -> memref<200x64xf32, #tpu.memory_space<vmem>>
    tpu.wait_dma2 semaphore(%arg14 : memref<!tpu.dma_semaphore, #tpu.memory_space<semaphore_mem>>) src(%dma_wait3A_98 : memref<200x64xf32, #tpu.memory_space<vmem>>) dst(%dma_wait3A_94 : memref<200x64xf32, #tpu.memory_space<hbm>>)
    %add3A_99 = arith.constant 128 : i32
    %add3A_100 = arith.addi %mul3A_2, %add3A_99 : i32
    %sub3A_101 = arith.constant 4 : i32
    %sub3A_102 = arith.subi %add3A_100, %sub3A_101 : i32
    %add3A_103 = arith.constant 2 : i32
    %add3A_104 = arith.addi %sub3A_102, %add3A_103 : i32
    %dma_wait3A_105 = arith.constant 2 : i32
    %dma_wait3A_106 = arith.constant 0 : i32
    %dma_wait3A_107 = arith.constant 0 : i32
    %dma_wait3A_108 = tpu.memref_slice %arg8[%dma_wait3A_105, %dma_wait3A_106, %dma_wait3A_107] : memref<4x200x64xf32, #tpu.memory_space<vmem>> -> memref<1x200x64xf32, #tpu.memory_space<vmem>>
    %dma_wait3A_109 = tpu.memref_squeeze %dma_wait3A_108 : memref<1x200x64xf32, #tpu.memory_space<vmem>> -> memref<200x64xf32, #tpu.memory_space<vmem>>
    %dma_wait3A_110 = arith.constant 0 : i32
    %dma_wait3A_111 = arith.constant 0 : i32
    %dma_wait3A_112 = tpu.memref_slice %arg5[%add3A_104, %dma_wait3A_110, %dma_wait3A_111] : memref<4096x200x64xf32, #tpu.memory_space<hbm>> -> memref<1x200x64xf32, #tpu.memory_space<hbm>>
    %dma_wait3A_113 = tpu.memref_squeeze %dma_wait3A_112 : memref<1x200x64xf32, #tpu.memory_space<hbm>> -> memref<200x64xf32, #tpu.memory_space<hbm>>
    %dma_wait3A_114 = arith.constant 0 : i32
    %dma_wait3A_115 = arith.constant 0 : i32
    %dma_wait3A_116 = tpu.memref_slice %arg5[%add3A_104, %dma_wait3A_114, %dma_wait3A_115] : memref<4096x200x64xf32, #tpu.memory_space<hbm>> -> memref<1x200x64xf32, #tpu.memory_space<hbm>>
    %dma_wait3A_117 = tpu.memref_squeeze %dma_wait3A_116 : memref<1x200x64xf32, #tpu.memory_space<hbm>> -> memref<200x64xf32, #tpu.memory_space<hbm>>
    %dma_wait3A_118 = arith.constant 0 : i32
    %dma_wait3A_119 = arith.constant 0 : i32
    %dma_wait3A_120 = tpu.memref_slice %arg8[%dma_wait3A_105, %dma_wait3A_118, %dma_wait3A_119] : memref<4x200x64xf32, #tpu.memory_space<vmem>> -> memref<1x200x64xf32, #tpu.memory_space<vmem>>
    %dma_wait3A_121 = tpu.memref_squeeze %dma_wait3A_120 : memref<1x200x64xf32, #tpu.memory_space<vmem>> -> memref<200x64xf32, #tpu.memory_space<vmem>>
    tpu.wait_dma2 semaphore(%arg15 : memref<!tpu.dma_semaphore, #tpu.memory_space<semaphore_mem>>) src(%dma_wait3A_121 : memref<200x64xf32, #tpu.memory_space<vmem>>) dst(%dma_wait3A_117 : memref<200x64xf32, #tpu.memory_space<hbm>>)
    %add3A_122 = arith.constant 128 : i32
    %add3A_123 = arith.addi %mul3A_2, %add3A_122 : i32
    %sub3A_124 = arith.constant 4 : i32
    %sub3A_125 = arith.subi %add3A_123, %sub3A_124 : i32
    %add3A_126 = arith.constant 3 : i32
    %add3A_127 = arith.addi %sub3A_125, %add3A_126 : i32
    %dma_wait3A_128 = arith.constant 3 : i32
    %dma_wait3A_129 = arith.constant 0 : i32
    %dma_wait3A_130 = arith.constant 0 : i32
    %dma_wait3A_131 = tpu.memref_slice %arg8[%dma_wait3A_128, %dma_wait3A_129, %dma_wait3A_130] : memref<4x200x64xf32, #tpu.memory_space<vmem>> -> memref<1x200x64xf32, #tpu.memory_space<vmem>>
    %dma_wait3A_132 = tpu.memref_squeeze %dma_wait3A_131 : memref<1x200x64xf32, #tpu.memory_space<vmem>> -> memref<200x64xf32, #tpu.memory_space<vmem>>
    %dma_wait3A_133 = arith.constant 0 : i32
    %dma_wait3A_134 = arith.constant 0 : i32
    %dma_wait3A_135 = tpu.memref_slice %arg5[%add3A_127, %dma_wait3A_133, %dma_wait3A_134] : memref<4096x200x64xf32, #tpu.memory_space<hbm>> -> memref<1x200x64xf32, #tpu.memory_space<hbm>>
    %dma_wait3A_136 = tpu.memref_squeeze %dma_wait3A_135 : memref<1x200x64xf32, #tpu.memory_space<hbm>> -> memref<200x64xf32, #tpu.memory_space<hbm>>
    %dma_wait3A_137 = arith.constant 0 : i32
    %dma_wait3A_138 = arith.constant 0 : i32
    %dma_wait3A_139 = tpu.memref_slice %arg5[%add3A_127, %dma_wait3A_137, %dma_wait3A_138] : memref<4096x200x64xf32, #tpu.memory_space<hbm>> -> memref<1x200x64xf32, #tpu.memory_space<hbm>>
    %dma_wait3A_140 = tpu.memref_squeeze %dma_wait3A_139 : memref<1x200x64xf32, #tpu.memory_space<hbm>> -> memref<200x64xf32, #tpu.memory_space<hbm>>
    %dma_wait3A_141 = arith.constant 0 : i32
    %dma_wait3A_142 = arith.constant 0 : i32
    %dma_wait3A_143 = tpu.memref_slice %arg8[%dma_wait3A_128, %dma_wait3A_141, %dma_wait3A_142] : memref<4x200x64xf32, #tpu.memory_space<vmem>> -> memref<1x200x64xf32, #tpu.memory_space<vmem>>
    %dma_wait3A_144 = tpu.memref_squeeze %dma_wait3A_143 : memref<1x200x64xf32, #tpu.memory_space<vmem>> -> memref<200x64xf32, #tpu.memory_space<vmem>>
    tpu.wait_dma2 semaphore(%arg16 : memref<!tpu.dma_semaphore, #tpu.memory_space<semaphore_mem>>) src(%dma_wait3A_144 : memref<200x64xf32, #tpu.memory_space<vmem>>) dst(%dma_wait3A_140 : memref<200x64xf32, #tpu.memory_space<hbm>>)
    return
  }
}

module attributes {stable_mosaic.version = 14 : i64} {
  func.func @body(%arg0: memref<4096x16xf32, #tpu.memory_space<vmem>>, %arg1: memref<64x16xf32, #tpu.memory_space<vmem>>, %arg2: memref<4096x64xf32, #tpu.memory_space<vmem>>) attributes {dimension_semantics = [], scalar_prefetch = 0 : i64, scratch_operands = 0 : i64, tpu.core_type = #tpu.core_type<tc>} {
    %get3A = arith.constant 0 : index
    %get3A_0 = arith.constant 0 : index
    %get3A_1 = vector.load %arg0[%get3A, %get3A_0] : memref<4096x16xf32, #tpu.memory_space<vmem>>, vector<4096x16xf32>
    %get3A_2 = arith.constant 0 : index
    %get3A_3 = arith.constant 0 : index
    %get3A_4 = vector.load %arg1[%get3A_2, %get3A_3] : memref<64x16xf32, #tpu.memory_space<vmem>>, vector<64x16xf32>
    %dot_general3A = arith.constant dense<0.000000e+00> : vector<4096x64xf32>
    %dot_general3A_5 = tpu.matmul %get3A_1, %get3A_4, %dot_general3A {dimension_numbers = #tpu.dot_dimension_numbers<[1], [1], [0], [0], [0, 0, 1, 0], [], []>, transpose_lhs_hint = false} : vector<4096x16xf32>, vector<64x16xf32>, vector<4096x64xf32> -> vector<4096x64xf32>
    %swap3A = arith.constant 0 : index
    %swap3A_6 = arith.constant 0 : index
    %swap3A_7 = vector.load %arg2[%swap3A, %swap3A_6] : memref<4096x64xf32, #tpu.memory_space<vmem>>, vector<4096x64xf32>
    tpu.vector_store %arg2[%swap3A, %swap3A_6], %dot_general3A_5 {strides = array<i32>} : memref<4096x64xf32, #tpu.memory_space<vmem>>, vector<4096x64xf32>,
    return
  }
}

</mosaic_0001>

<sc_bundles>
// kernel: kernel.4.cloned.1.call-start
scs
__scs_entry_jumppad:
0x0: {  	(pc) =	sbr.rel $0x88, $3  }
0x1: {  	(tag) =	ssettag $0x0;
	lr =	simm.s32 $0x1  }
0x2: {  	[smem:$0x3F9D] =	sst lr;
	_ =	strace $0xD0000000  }
0x3: {  	_ = 	snop  }
0x4: {  	_ = 	snop  }
0x5: {  	_ = 	snop  }
0x6: {  	_ = 	snop  }
0x7: {  	_ = 	snop  }
__scs_overlays_trampoline_lowered:
0x8: {  	[smem:$0x3FAC] =	sst s0  }
0x9: {  	[smem:$0x3FAD] =	sst s1  }
0xa: {  	[smem:$0x3FAE] =	sst s2  }
0xb: {  	[smem:$0x3FAF] =	sst s3  }
0xc: {  	[smem:$0x3FB0] =	sst s4  }
0xd: {  	[smem:$0x3FB1] =	sst s5  }
0xe: {  	[smem:$0x3FB2] =	sst s6  }
0xf: {  	[smem:$0x3FB3] =	sst s7  }
0x10: {  	[smem:$0x3FB4] =	sst s8  }
0x11: {  	[smem:$0x3FB5] =	sst s9;
	s0 =	simm.s32 @!p0 $0x0  }
0x12: {  	s1 =	sld [smem:$0x3F9B];
	s0 =	simm.s32 @p0 $0x1  }
0x13: {  	[smem:$0x3FB6] =	sst s0;
	s0 =	simm.s32 @!p1 $0x0  }
0x14: {  	s2 =	sld [smem:$0x3F9A];
	s0 =	simm.s32 @p1 $0x1  }
0x15: {  	[smem:$0x3FB7] =	sst s0;
	s0 =	simm.s32 @!p2 $0x0  }
0x16: {  	s3 =	sld [smem:$0x3FDB];
	s0 =	simm.s32 @p2 $0x1  }
0x17: {  	s4 =	simm.s32 $0x1BF5;
	[smem:$0x3FB9] =	sst s0  }
0x18: {  	s0 =	sld [smem:$0x3F9C];
	_ =	swait.ge [sflag:s4], $0x0  }
0x19: {  	s7 =	sld [smem:$0x3F9D]  }
0x1a: {  	s8 =	sadd.s32 $0xFFFFE003, lr  }
0x1b: {  	s9 =	sadd.s32 $0xFFFFFEF7, lr;
	s5 =	simm.s32 $0xFFFFFFFF;
	p2 =	slt.u32 s8, $0xFFFFF086  }
0x1c: {  	p1 =	slt.u32 s9, $0xF7A;
	s5 =	simm.s32 @!p2 $0x0  }
0x1d: {  	s5 =	simm.s32 @p1 $0x1;
	p0 =	seq.s32 s7, s2  }
0x1e: {  	s7 =	smul.u32 @!p0 $0xF7A, s2;
	p2 =	seq.s32 @!p0 s5, $0x0  }
0x1f: {  	s9 =	smul.u32 $0xF7A, s1;
	s8 =	simm.s32 @!p0 $0x1BF5;
	p2 =	por !p2, p0  }
0x20: {  	[sflag:s8] =	ssyncset.s32 @!p0 $0xFFFFF086;
	s6 =	sadd.s32 @!p0 s3, s7;
	s7 =	simm.s32 @!p0 $0x108  }
0x21: {  	s3 =	sadd.s32 s3, s9;
	s6 =	sadd.s32 @!p0 $0x88, s6;
	s7 =	simm.s32 @p2 $0x1082  }
0x22: {  	[simem:s7], [sflag:s8] =	dma.local @!p0 [hbm:s6], $0xF7A  }
0x23: {  	s9 =	sor.u32 $0xD0000000, s2;
	s6 =	simm.s32 $0x108;
	_ =	swait.ge @!p0 [sflag:s8], $0x0  }
0x24: {  	s3 =	sadd.s32 $0x88, s3;
	s6 =	simm.s32 @!p1 $0x1082;
	[sflag:s4] =	ssyncset.s32 $0xFFFFF086  }
0x25: {  	[simem:s6], [sflag:s4] =	dma.local [hbm:s3], $0xF7A  }
0x26: {  	[smem:$0x3F9D] =	sst s1;
	(tag) =	ssettag s2;
	_ =	strace s9  }
0x27: {  	s1 =	sld [smem:$0x3FAD]  }
0x28: {  	s2 =	sld [smem:$0x3FAE]  }
0x29: {  	s4 =	sld [smem:$0x3FB0]  }
0x2a: {  	p0 =	seq.s32 s5, $0x0;
	s5 =	sld [smem:$0x3FB1]  }
0x2b: {  	s6 =	sld [smem:$0x3FB2]  }
0x2c: {  	s7 =	sld [smem:$0x3FB3]  }
0x2d: {  	s3 =	simm.s32 $0x108;
	s8 =	sld [smem:$0x3FB4]  }
0x2e: {  	s3 =	simm.s32 @!p0 $0x1082;
	s9 =	sld [smem:$0x3FB5]  }
0x2f: {  	lr =	sadd.s32 s0, s3;
	s0 =	sld [smem:$0x3FAC]  }
0x30: {  	s3 =	sld [smem:$0x3FAF]  }
0x31: {  	[smem:$0x3FB8] =	sst s10  }
0x32: {  	s10 =	sld [smem:$0x3FB6];
	_ =	sdelay $0x3  }
0x33: {  	p0 =	seq.s32 s10, $0x1;
	s10 =	sld [smem:$0x3FB8];
	_ =	sdelay $0x3  }
0x34: {  	[smem:$0x3FB8] =	sst s10  }
0x35: {  	s10 =	sld [smem:$0x3FB7];
	_ =	sdelay $0x3  }
0x36: {  	p1 =	seq.s32 s10, $0x1;
	s10 =	sld [smem:$0x3FB8];
	_ =	sdelay $0x3  }
0x37: {  	[smem:$0x3FB8] =	sst s10  }
0x38: {  	s10 =	sld [smem:$0x3FB9]  }
0x39: {  	_ = 	snop;
	(pc) =	sbr.ind lr, $3  }
0x3a: {  	_ = 	snop  }
0x3b: {  	_ = 	snop  }
0x3c: {  	p2 =	seq.s32 s10, $0x1;
	s10 =	sld [smem:$0x3FB8]  }
0x3d: {  	_ =	shalt  }
0x3e: {  	_ =	shalt  }
0x3f: {  	_ =	shalt  }
0x40: {  	_ =	shalt  }
0x41: {  	_ =	shalt  }
0x42: {  	_ =	shalt  }
0x43: {  	_ =	shalt  }
0x44: {  	_ =	shalt  }
0x45: {  	_ =	shalt  }
0x46: {  	_ =	shalt  }
0x47: {  	_ =	shalt  }
0x48: {  	_ =	shalt  }
0x49: {  	_ =	shalt  }
0x4a: {  	_ =	shalt  }
0x4b: {  	_ =	shalt  }
0x4c: {  	_ =	shalt  }
0x4d: {  	_ =	shalt  }
0x4e: {  	_ =	shalt  }
0x4f: {  	_ =	shalt  }
0x50: {  	_ =	shalt  }
0x51: {  	_ =	shalt  }
0x52: {  	_ =	shalt  }
0x53: {  	_ =	shalt  }
0x54: {  	_ =	shalt  }
0x55: {  	_ =	shalt  }
0x56: {  	_ =	shalt  }
0x57: {  	_ =	shalt  }
0x58: {  	_ =	shalt  }
0x59: {  	_ =	shalt  }
0x5a: {  	_ =	shalt  }
0x5b: {  	_ =	shalt  }
0x5c: {  	_ =	shalt  }
0x5d: {  	_ =	shalt  }
0x5e: {  	_ =	shalt  }
0x5f: {  	_ =	shalt  }
0x60: {  	_ =	shalt  }
0x61: {  	_ =	shalt  }
0x62: {  	_ =	shalt  }
0x63: {  	_ =	shalt  }
0x64: {  	_ =	shalt  }
0x65: {  	_ =	shalt  }
0x66: {  	_ =	shalt  }
0x67: {  	_ =	shalt  }
0x68: {  	_ =	shalt  }
0x69: {  	_ =	shalt  }
0x6a: {  	_ =	shalt  }
0x6b: {  	_ =	shalt  }
0x6c: {  	_ =	shalt  }
0x6d: {  	_ =	shalt  }
0x6e: {  	_ =	shalt  }
0x6f: {  	_ =	shalt  }
0x70: {  	_ =	shalt  }
0x71: {  	_ =	shalt  }
0x72: {  	_ =	shalt  }
0x73: {  	_ =	shalt  }
0x74: {  	_ =	shalt  }
0x75: {  	_ =	shalt  }
0x76: {  	_ =	shalt  }
0x77: {  	_ =	shalt  }
0x78: {  	_ =	shalt  }
0x79: {  	_ =	shalt  }
0x7a: {  	_ =	shalt  }
0x7b: {  	_ =	shalt  }
0x7c: {  	_ =	shalt  }
0x7d: {  	_ =	shalt  }
0x7e: {  	_ =	shalt  }
0x7f: {  	_ =	shalt  }
0x80: {  	_ =	shalt  }
0x81: {  	_ =	shalt  }
0x82: {  	_ =	shalt  }
0x83: {  	_ =	shalt  }
0x84: {  	_ =	shalt  }
0x85: {  	_ =	shalt  }
0x86: {  	_ =	shalt  }
0x87: {  	_ =	shalt  }
.Lfunc_end0:
.L_simem_size_0:
called_computation.1_lowered:
.L_overlay_start_0:
0x88: {  	s2 =	sld [smem:$0x3FD9]  }
0x89: {  	s3 =	sld [smem:$0x3FFE];
	_ =	sdelay $0x1  }
0x8a: {  	s1 =	srdreg.scid  }
0x8b: {  	s0 =	sand.u32 $0x1, s1  }
0x8c: {  	s17 =	sshll.u32 s0, $0xA;
	s2 =	sadd.s32 s3, s2  }
0x8d: {  	s2 =	sadd.s32 s2, s17  }
0x8e: {  	[smem:$0x3FC4] =	sst s2  }
0x8f: {  	_ = 	snop  }
0x90: {  	s2 =	sld [smem:$0x3FD0];
	(tm) =	ssettm $0x1  }
0x91: {  	s18 =	sld [smem:$0x3FFB];
	_ =	sdelay $0x3  }
0x92: {  	_ =	strace s18  }
0x93: {  	s3 =	sld [smem:$0x3FFC];
	_ =	sdelay $0x3  }
0x94: {  	_ =	strace s3  }
0x95: {  	s3 =	sld [smem:$0x3FFD];
	_ =	sdelay $0x3  }
0x96: {  	_ =	strace s3  }
0x97: {  	_ =	strace $0x8FFFFFFF  }
0x98: {  	s19 =	sld [smem:$0x3FDB];
	_ =	sdelay $0x1  }
0x99: {  	s4 =	simm.s32 $_scs_section_size  }
0x9a: {  	s5 =	simm.s32 $_size__tile_overlayer_lowered;
	s6 =	simm.s32 $_tile_overlayer_lowered  }
0x9b: {  	s22 =	simm.s32 $0x1BFF;
	s21 =	sshll.u32 s6, $0x1;
	s3 =	sadd.s32 s4, s19  }
0x9c: {  	s7 =	simm.s32 $0x0;
	s20 =	sshll.u32 s5, $0x1;
	s5 =	sadd.s32 s21, s3  }
0x9d: {  	[timem:s7], [sflag:s22] =	dma.local [hbm:s5], s20  }
0x9e: {  	_ =	swait.ge [sflag:s22], s20  }
0x9f: {  	s4 =	ssub.s32 $0x0, s20;
	[sflag:s22] =	ssyncset.done $0x0  }
0xa0: {  	[sflag:s22] =	ssyncadd.s32 s4;
	_ =	sdelay $0x1  }
0xa1: {  	s23 =	simm.s32 $0x1B8B  }
0xa2: {  	_ =	swait.ge [sflag:s23], $0x1  }
0xa3: {  	[sflag:s23] =	ssyncset.done $0x0  }
0xa4: {  	s25 =	simm.s32 $0x1B8E;
	s24 =	sld [smem:$0x3FFE];
	[sflag:s23] =	ssyncadd.s32 $0xFFFFFFFF  }
0xa5: {  	s26 =	simm.s32 $execute0_lowered;
	[smem:$0x3FD2] =	sst s25  }
0xa6: {  	s5 =	sshll.u32 s26, $0x1;
	_ =	strace $0x80000046;
	[dreg:$0x1] =	wrdreg $0xFFFFFFFF  }
0xa7: {  	s28 =	simm.s32 $_size_execute0_lowered;
	s3 =	sadd.s32 s3, s5;
	[dreg:$0x0] =	wrdreg $0x0  }
0xa8: {  	s5 =	sshll.u32 s28, $0x1;
	[dreg:$0x2] =	wrdreg s3  }
0xa9: {  	[dreg:$0x3] =	wrdreg s5  }
0xaa: {  	[dreg:$0x4] =	wrdreg $0xC0  }
0xab: {  	_ =	task [dreg:s7], $0x5FFFF  }
0xac: {  	[dreg:$0x1] =	wrdreg $0xFFFFFFFF  }
0xad: {  	[dreg:$0x0] =	wrdreg $0x60  }
0xae: {  	[dreg:$0x2] =	wrdreg s24  }
0xaf: {  	[dreg:$0x3] =	wrdreg s2  }
0xb0: {  	[dreg:$0x4] =	wrdreg $0x9  }
0xb1: {  	_ =	task.clear_ibuf [dreg:s7], $0x5FFFF;
	_ =	strace $0x90000046  }
0xb2: {  	s29 =	simm.s32 $0x9;
	_ =	strace $0x80000048  }
0xb3: {  	_ =	swait.ge [sflag:s29], $0x1  }
0xb4: {  	[sflag:s29] =	ssyncadd.s32 $0xFFFFFFFF  }
0xb5: {  	_ =	strace $0x90000048  }
0xb6: {  	_ =	sfence  }
0xb7: {  	s30 =	sld [smem:$0x0];
	_ =	sdelay $0x2  }
0xb8: {  	s31 =	sshll.u32 s1, $0xD;
	s1 =	sshrl.u32 s1, $0x2  }
0xb9: {  	s3 =	sand.u32 $0x4000, s31;
	s1 =	sadd.s32 s1, s30  }
0xba: {  	s0 =	sor.u32 s3, s0;
	s1 =	sshll.u32 s1, $0x11  }
0xbb: {  	s0 =	sor.u32 s1, s0  }
0xbc: {  	s0 =	sadd.s32 $0x8F2B, s0  }
0xbd: {  	[sflag:s0] =	ssyncadd.remote.s32 $0x1  }
0xbe: {  	_ =	sfence.sel $0xFFFF  }
0xbf: {  	[dreg:$0x0] =	wrdreg $0xFFFFFFFF;
	(pc) =	sbr.abs _section_cstart, $3  }
0xc0: {  	[dreg:$0x1] =	wrdreg $0xFFFFFFFF  }
0xc1: {  	_ =	task.clear_ibuf [dreg:s7], $0x2FFFF;
	_ =	strace $0x9FFFFFFF  }
0xc2: {  	(tm) =	ssettm $0x7FFFFFFF  }
0xc3: {  	_ =	shalt  }
tec
execute0_lowered:
.L_overlay_start_1:
0x0: {  	(tag) =	ssettag $0x1  }
0x1: {  	s0 =	srdreg.scid;
	s1 =	rddreg [dreg:$0x0]  }
0x2: {  	s3 =	stileid.u32;
	s2 =	rddreg [dreg:$0x1];
	s9 =	simm.s32 $0x9  }
0x3: {  	s11 =	simm.s32 $0x80;
	s12 =	simm.s32 $0x8400;
	s13 =	simm.s32 $0x48  }
0x4: {  	s16 =	simm.s32 $0xB600;
	s19 =	simm.s32 $0xE800;
	s20 =	simm.s32 $0x10800  }
0x5: {  	s21 =	simm.s32 $0x1;
	s22 =	simm.s32 $0x11A00;
	s23 =	simm.s32 $0x13A00  }
0x6: {  	s28 =	simm.s32 $0x5;
	s29 =	simm.s32 $0x6;
	s30 =	simm.s32 $0x7  }
0x7: {  	s0 =	sand.u32 $0x1, s0;
	s4 =	sshll.u32 s3, $0x8;
	s3 =	simm.s32 $0x0  }
0x8: {  	s31 =	simm.s32 $0x8;
	s5 =	sshll.u32 s0, $0x7;
	[smem:$0x7FF] =	sst s3  }
0x9: {  	s0 =	ssub.s32 $0x2, s0;
	s4 =	sor.u32 s5, s4;
	_ =	strace $0x80000047  }
0xa: {  	s25 =	sshrl.u32 s0, $0x1;
	s5 =	smul.u32 $0x19, s4;
	s24 =	sshll.u32 s4, $0x3  }
0xb: {  	s0 =	ssub.s32 s0, s25;
	s25 =	simm.s32 $0x3;
	s7 =	sadd.s32 s24, s1  }
0xc: {  	s8 =	smax.u32 s0, $0x1;
	s24 =	simm.s32 $0x2;
	s6 =	sadd.s32 s5, s1  }
0xd: {  	s5 =	sadd.s32 $0xF43200, s1;
	s7 =	sadd.s32 $0x19E00, s7;
	s26 =	sadd.s32 $0xE00, s6  }
0xe: {  	s1 =	simm.s32 $0x0;
	[dreg:$0x3] =	wrdreg s26;
	s26 =	simm.s32 $0x4  }
.LBB2_1:
0xf: {  	s0 =	rddreg [dreg:$0x3]  }
0x10: {  	[tilespmem:s3], [sflag:$0x9] =	stream.linear.gather [hbm4b:s0+s3], $0x6400, $0x38;
	[tilespmem:$0x14C00] =	vst v63  }
0x11: {  	_ =	swait.ge [sflag:s9], $0x6400  }
0x12: {  	[sflag:s9] =	ssyncset.done $0x0  }
0x13: {  	s14 =	simm.s32 $0x6400;
	[sflag:s9] =	ssyncadd.s32 $0xFFFF9C00  }
0x14: {  	[tilespmem:s14], [sflag:$0x9] =	stream.linear.gather [hbm4b:s7+s3], $0x2000, $0x38;
	[tilespmem:$0x14C00] =	vst v63  }
0x15: {  	_ =	swait.ge [sflag:s9], $0x2000  }
0x16: {  	[sflag:s9] =	ssyncset.done $0x0  }
0x17: {  	[sflag:s9] =	ssyncadd.s32 $0xFFFFE000  }
0x18: {  	[tilespmem:s12], [sflag:$0x1] =	stream.indirect.gather [hbm4b:s5+s11], $0x40, s3, s11, $0xb8;
	[tilespmem:$0x14C00] =	vst v63  }
0x19: {  	s15 =	simm.s32 $0xA400  }
0x1a: {  	[tilespmem:s15], [sflag:$0x1] =	stream.indirect.gather [hbm4b:s5+s13], $0x40, s11, s13, $0xb8;
	[tilespmem:$0x14C00] =	vst v63  }
0x1b: {  	s17 =	simm.s32 $0xC8  }
0x1c: {  	[tilespmem:s16], [sflag:$0x2] =	stream.indirect.gather [hbm4b:s5+s11], $0x40, s17, s11, $0xb8;
	[tilespmem:$0x14C00] =	vst v63  }
0x1d: {  	s18 =	simm.s32 $0x148;
	s6 =	simm.s32 $0xD600;
	s0 =	simm.s32 $0x0  }
0x1e: {  	[tilespmem:s6], [sflag:$0x2] =	stream.indirect.gather [hbm4b:s5+s13], $0x40, s18, s13, $0xb8;
	[tilespmem:$0x14C00] =	vst v63  }
.LBB2_2:
0x1f: {  	s15 =	sshll.u32 s0, $0x2;
	p0 =	seq.s32 s0, $0x0  }
0x20: {  	s14 =	sor.u32 $0x2, s15;
	s10 =	simm.s32 @!p0 $0x7  }
0x21: {  	_ =	swait.ge @!p0 [sflag:s10], $0x3200;
	s17 =	smul.u32 $0x320, s14  }
0x22: {  	[sflag:s10] =	ssyncset.done @!p0 $0x0  }
0x23: {  	[sflag:s10] =	ssyncadd.s32 @!p0 $0xFFFFCE00;
	s17 =	sshra.s32 s17, $0x2  }
0x24: {  	[tilespmem:s19], [sflag:$0x3] =	stream.indirect.gather [hbm4b:s5+s11], $0x40, s17, s11, $0xb8;
	[tilespmem:$0x14C00] =	vst v63  }
0x25: {  	s10 =	sadd.s32 $0x80, s17  }
0x26: {  	[tilespmem:s20], [sflag:$0x3] =	stream.indirect.gather [hbm4b:s5+s13], $0x40, s10, s13, $0xb8;
	[tilespmem:$0x14C00] =	vst v63  }
0x27: {  	_ =	swait.ge [sflag:s21], $0x2000  }
0x28: {  	[sflag:s21] =	ssyncset.done $0x0  }
0x29: {  	[sflag:s21] =	ssyncadd.s32 $0xFFFFE000  }
0x2a: {  	_ =	swait.ge [sflag:s21], $0x1200  }
0x2b: {  	s18 =	sshll.u32 s0, $0x8;
	[sflag:s21] =	ssyncset.done $0x0  }
0x2c: {  	s10 =	sand.u32 $0x3FFFFF00, s18;
	[sflag:s21] =	ssyncadd.s32 $0xFFFFEE00  }
0x2d: {  	v1 =	vld [tilespmem:s10+$0x6400]  }
0x2e: {  	v2 =	vld [tilespmem:s10+$0x6430]  }
0x2f: {  	v3 =	vld [tilespmem:s10+$0x6420]  }
0x30: {  	v0 =	vld [tilespmem:s10+$0x6410]  }
0x31: {  	s10 =	simm.s32 $0x8400  }
0x32: {  	[tilespmem:s10+$0x0] =	vst.add.f32.msk $0xffff, v1  }
0x33: {  	[tilespmem:s10+$0xF0] =	vst.add.f32.msk $0xffff, v2  }
0x34: {  	[tilespmem:s10+$0xE0] =	vst.add.f32.msk $0xffff, v3  }
0x35: {  	[tilespmem:s10+$0xD0] =	vst.add.f32.msk $0xffff, v0  }
0x36: {  	[tilespmem:s10+$0xC0] =	vst.add.f32.msk $0xffff, v1  }
0x37: {  	[tilespmem:s10+$0xB0] =	vst.add.f32.msk $0xffff, v2  }
0x38: {  	[tilespmem:s10+$0xA0] =	vst.add.f32.msk $0xffff, v3  }
0x39: {  	[tilespmem:s10+$0x90] =	vst.add.f32.msk $0xffff, v0  }
0x3a: {  	[tilespmem:s10+$0x80] =	vst.add.f32.msk $0xffff, v1  }
0x3b: {  	[tilespmem:s10+$0x70] =	vst.add.f32.msk $0xffff, v2  }
0x3c: {  	[tilespmem:s10+$0x60] =	vst.add.f32.msk $0xffff, v3  }
0x3d: {  	[tilespmem:s10+$0x50] =	vst.add.f32.msk $0xffff, v0  }
0x3e: {  	[tilespmem:s10+$0x40] =	vst.add.f32.msk $0xffff, v1  }
0x3f: {  	[tilespmem:s10+$0x30] =	vst.add.f32.msk $0xffff, v2  }
0x40: {  	s17 =	simm.s32 $0x0;
	[tilespmem:s10+$0x20] =	vst.add.f32.msk $0xffff, v3  }
.LBB2_3:
0x41: {  	s17 =	sadd.s32 $0x4, s17;
	[tilespmem:s10+$0x10] =	vst.add.f32.msk $0xffff, v0;
	s10 =	sadd.s32 $0x100, s10  }
0x42: {  	[tilespmem:s10+$0x0] =	vst.add.f32.msk $0xffff, v1;
	p1 =	slt.u32 s17, $0xC4  }
0x43: {  	[tilespmem:s10+$0xF0] =	vst.add.f32.msk $0xffff, v2  }
0x44: {  	[tilespmem:s10+$0xE0] =	vst.add.f32.msk $0xffff, v3  }
0x45: {  	[tilespmem:s10+$0xD0] =	vst.add.f32.msk $0xffff, v0  }
0x46: {  	[tilespmem:s10+$0xC0] =	vst.add.f32.msk $0xffff, v1  }
0x47: {  	[tilespmem:s10+$0xB0] =	vst.add.f32.msk $0xffff, v2  }
0x48: {  	[tilespmem:s10+$0xA0] =	vst.add.f32.msk $0xffff, v3  }
0x49: {  	[tilespmem:s10+$0x90] =	vst.add.f32.msk $0xffff, v0  }
0x4a: {  	[tilespmem:s10+$0x80] =	vst.add.f32.msk $0xffff, v1  }
0x4b: {  	[tilespmem:s10+$0x70] =	vst.add.f32.msk $0xffff, v2  }
.Ltmp0:
0x4c: {  	[tilespmem:s10+$0x60] =	vst.add.f32.msk $0xffff, v3;
	(pc) =	sbr.rel @p1 .LBB2_3-.Ltmp0, $4  }
0x4d: {  	[tilespmem:s10+$0x50] =	vst.add.f32.msk $0xffff, v0  }
0x4e: {  	[tilespmem:s10+$0x40] =	vst.add.f32.msk $0xffff, v1  }
0x4f: {  	[tilespmem:s10+$0x30] =	vst.add.f32.msk $0xffff, v2  }
0x50: {  	[tilespmem:s10+$0x20] =	vst.add.f32.msk $0xffff, v3  }
0x51: {  	s17 =	sadd.s32 s4, s15  }
0x52: {  	s17 =	smul.u32 $0x640, s17;
	_ =	sdelay $0x1  }
0x53: {  	[tilespmem:s10+$0x10] =	vst.add.f32.msk $0xffff, v0;
	s10 =	sor.u32 $0x3, s15;
	s18 =	sadd.s32 s2, s17;
	s17 =	simm.s32 @!p0 $0x8  }
0x54: {  	[hbm4b:s18+s3] =	stream.linear.scatter [tilespmem:s12], [sflag:$0x5], $0x3200, $0x38;
	[tilespmem:$0x14C00] =	vst v63  }
0x55: {  	s18 =	smul.u32 $0x320, s10;
	_ =	swait.ge @!p0 [sflag:s17], $0x3200  }
0x56: {  	[sflag:s17] =	ssyncset.done @!p0 $0x0  }
0x57: {  	s6 =	sshra.s32 s18, $0x2;
	[sflag:s17] =	ssyncadd.s32 @!p0 $0xFFFFCE00  }
0x58: {  	[tilespmem:s22], [sflag:$0x4] =	stream.indirect.gather [hbm4b:s5+s11], $0x40, s6, s11, $0xb8;
	[tilespmem:$0x14C00] =	vst v63  }
0x59: {  	s17 =	sadd.s32 $0x80, s6  }
0x5a: {  	[tilespmem:s23], [sflag:$0x4] =	stream.indirect.gather [hbm4b:s5+s13], $0x40, s17, s13, $0xb8;
	[tilespmem:$0x14C00] =	vst v63  }
0x5b: {  	_ =	swait.ge [sflag:s24], $0x2000  }
0x5c: {  	[sflag:s24] =	ssyncset.done $0x0  }
0x5d: {  	[sflag:s24] =	ssyncadd.s32 $0xFFFFE000  }
0x5e: {  	s15 =	sor.u32 $0x1, s15;
	_ =	swait.ge [sflag:s24], $0x1200  }
0x5f: {  	s18 =	sshll.u32 s15, $0x6;
	[sflag:s24] =	ssyncset.done $0x0  }
0x60: {  	s17 =	sand.u32 $0x3FFFFFC0, s18;
	[sflag:s24] =	ssyncadd.s32 $0xFFFFEE00  }
0x61: {  	v1 =	vld [tilespmem:s17+$0x6400]  }
0x62: {  	v2 =	vld [tilespmem:s17+$0x6430]  }
0x63: {  	v3 =	vld [tilespmem:s17+$0x6420]  }
0x64: {  	v0 =	vld [tilespmem:s17+$0x6410]  }
0x65: {  	s17 =	simm.s32 $0xB600  }
0x66: {  	[tilespmem:s17+$0x0] =	vst.add.f32.msk $0xffff, v1  }
0x67: {  	[tilespmem:s17+$0xF0] =	vst.add.f32.msk $0xffff, v2  }
0x68: {  	[tilespmem:s17+$0xE0] =	vst.add.f32.msk $0xffff, v3  }
0x69: {  	[tilespmem:s17+$0xD0] =	vst.add.f32.msk $0xffff, v0  }
0x6a: {  	[tilespmem:s17+$0xC0] =	vst.add.f32.msk $0xffff, v1  }
0x6b: {  	[tilespmem:s17+$0xB0] =	vst.add.f32.msk $0xffff, v2  }
0x6c: {  	[tilespmem:s17+$0xA0] =	vst.add.f32.msk $0xffff, v3  }
0x6d: {  	[tilespmem:s17+$0x90] =	vst.add.f32.msk $0xffff, v0  }
0x6e: {  	[tilespmem:s17+$0x80] =	vst.add.f32.msk $0xffff, v1  }
0x6f: {  	[tilespmem:s17+$0x70] =	vst.add.f32.msk $0xffff, v2  }
0x70: {  	[tilespmem:s17+$0x60] =	vst.add.f32.msk $0xffff, v3  }
0x71: {  	[tilespmem:s17+$0x50] =	vst.add.f32.msk $0xffff, v0  }
0x72: {  	[tilespmem:s17+$0x40] =	vst.add.f32.msk $0xffff, v1  }
0x73: {  	[tilespmem:s17+$0x30] =	vst.add.f32.msk $0xffff, v2  }
0x74: {  	s18 =	simm.s32 $0x0;
	[tilespmem:s17+$0x20] =	vst.add.f32.msk $0xffff, v3  }
.LBB2_5:
0x75: {  	s18 =	sadd.s32 $0x4, s18;
	[tilespmem:s17+$0x10] =	vst.add.f32.msk $0xffff, v0;
	s17 =	sadd.s32 $0x100, s17  }
0x76: {  	[tilespmem:s17+$0x0] =	vst.add.f32.msk $0xffff, v1;
	p0 =	slt.u32 s18, $0xC4  }
0x77: {  	[tilespmem:s17+$0xF0] =	vst.add.f32.msk $0xffff, v2  }
0x78: {  	[tilespmem:s17+$0xE0] =	vst.add.f32.msk $0xffff, v3  }
0x79: {  	[tilespmem:s17+$0xD0] =	vst.add.f32.msk $0xffff, v0  }
0x7a: {  	[tilespmem:s17+$0xC0] =	vst.add.f32.msk $0xffff, v1  }
0x7b: {  	[tilespmem:s17+$0xB0] =	vst.add.f32.msk $0xffff, v2  }
0x7c: {  	[tilespmem:s17+$0xA0] =	vst.add.f32.msk $0xffff, v3  }
0x7d: {  	[tilespmem:s17+$0x90] =	vst.add.f32.msk $0xffff, v0  }
0x7e: {  	[tilespmem:s17+$0x80] =	vst.add.f32.msk $0xffff, v1  }
0x7f: {  	[tilespmem:s17+$0x70] =	vst.add.f32.msk $0xffff, v2  }
.Ltmp1:
0x80: {  	[tilespmem:s17+$0x60] =	vst.add.f32.msk $0xffff, v3;
	(pc) =	sbr.rel @p0 .LBB2_5-.Ltmp1, $4  }
0x81: {  	[tilespmem:s17+$0x50] =	vst.add.f32.msk $0xffff, v0  }
0x82: {  	[tilespmem:s17+$0x40] =	vst.add.f32.msk $0xffff, v1  }
0x83: {  	[tilespmem:s17+$0x30] =	vst.add.f32.msk $0xffff, v2  }
0x84: {  	[tilespmem:s17+$0x20] =	vst.add.f32.msk $0xffff, v3  }
0x85: {  	s15 =	sadd.s32 s4, s15  }
0x86: {  	s15 =	smul.u32 $0x640, s15;
	_ =	sdelay $0x1  }
0x87: {  	[tilespmem:s17+$0x10] =	vst.add.f32.msk $0xffff, v0;
	p0 =	seq.s32 s0, $0x1F;
	s15 =	sadd.s32 s2, s15  }
0x88: {  	[hbm4b:s15+s3] =	stream.linear.scatter [tilespmem:s16], [sflag:$0x6], $0x3200, $0x38;
	[tilespmem:$0x14C00] =	vst v63  }
0x89: {  	s15 =	simm.s32 @!p0 $0x5  }
0x8a: {  	s17 =	smul.u32 @!p0 $0xC80, s0;
	_ =	swait.ge @!p0 [sflag:s15], $0x3200  }
0x8b: {  	[sflag:s15] =	ssyncset.done @!p0 $0x0  }
0x8c: {  	[sflag:s15] =	ssyncadd.s32 @!p0 $0xFFFFCE00;
	s15 =	sshra.s32 @!p0 s17, $0x2  }
0x8d: {  	s18 =	simm.s32 @!p0 $0x80;
	s6 =	simm.s32 @!p0 $0x8400;
	s17 =	sadd.s32 @!p0 $0x320, s15  }
0x8e: {  	[tilespmem:s6], [sflag:$0x1] =	stream.indirect.gather @!p0 [hbm4b:s5+s18], $0x40, s17, s18, $0xb8;
	[tilespmem:$0x14C00] =	vst v63  }
0x8f: {  	s6 =	sadd.s32 @!p0 $0x3A0, s15;
	s17 =	simm.s32 @!p0 $0x48;
	s18 =	simm.s32 @!p0 $0xA400  }
0x90: {  	[tilespmem:s18], [sflag:$0x1] =	stream.indirect.gather @!p0 [hbm4b:s5+s17], $0x40, s6, s17, $0xb8;
	[tilespmem:$0x14C00] =	vst v63  }
0x91: {  	_ =	swait.ge [sflag:s25], $0x2000  }
0x92: {  	[sflag:s25] =	ssyncset.done $0x0  }
0x93: {  	[sflag:s25] =	ssyncadd.s32 $0xFFFFE000  }
0x94: {  	_ =	swait.ge [sflag:s25], $0x1200  }
0x95: {  	s18 =	sshll.u32 s14, $0x6;
	[sflag:s25] =	ssyncset.done $0x0  }
0x96: {  	s6 =	sand.u32 $0x3FFFFFC0, s18;
	[sflag:s25] =	ssyncadd.s32 $0xFFFFEE00  }
0x97: {  	v1 =	vld [tilespmem:s6+$0x6400]  }
0x98: {  	v2 =	vld [tilespmem:s6+$0x6430]  }
0x99: {  	v3 =	vld [tilespmem:s6+$0x6420]  }
0x9a: {  	v0 =	vld [tilespmem:s6+$0x6410]  }
0x9b: {  	s17 =	simm.s32 $0xE800  }
0x9c: {  	[tilespmem:s17+$0x0] =	vst.add.f32.msk $0xffff, v1  }
0x9d: {  	[tilespmem:s17+$0xF0] =	vst.add.f32.msk $0xffff, v2  }
0x9e: {  	[tilespmem:s17+$0xE0] =	vst.add.f32.msk $0xffff, v3  }
0x9f: {  	[tilespmem:s17+$0xD0] =	vst.add.f32.msk $0xffff, v0  }
0xa0: {  	[tilespmem:s17+$0xC0] =	vst.add.f32.msk $0xffff, v1  }
0xa1: {  	[tilespmem:s17+$0xB0] =	vst.add.f32.msk $0xffff, v2  }
0xa2: {  	[tilespmem:s17+$0xA0] =	vst.add.f32.msk $0xffff, v3  }
0xa3: {  	[tilespmem:s17+$0x90] =	vst.add.f32.msk $0xffff, v0  }
0xa4: {  	[tilespmem:s17+$0x80] =	vst.add.f32.msk $0xffff, v1  }
0xa5: {  	[tilespmem:s17+$0x70] =	vst.add.f32.msk $0xffff, v2  }
0xa6: {  	[tilespmem:s17+$0x60] =	vst.add.f32.msk $0xffff, v3  }
0xa7: {  	[tilespmem:s17+$0x50] =	vst.add.f32.msk $0xffff, v0  }
0xa8: {  	[tilespmem:s17+$0x40] =	vst.add.f32.msk $0xffff, v1  }
0xa9: {  	[tilespmem:s17+$0x30] =	vst.add.f32.msk $0xffff, v2  }
0xaa: {  	s18 =	simm.s32 $0x0;
	[tilespmem:s17+$0x20] =	vst.add.f32.msk $0xffff, v3  }
.LBB2_7:
0xab: {  	s18 =	sadd.s32 $0x4, s18;
	[tilespmem:s17+$0x10] =	vst.add.f32.msk $0xffff, v0;
	s17 =	sadd.s32 $0x100, s17  }
0xac: {  	[tilespmem:s17+$0x0] =	vst.add.f32.msk $0xffff, v1;
	p1 =	slt.u32 s18, $0xC4  }
0xad: {  	[tilespmem:s17+$0xF0] =	vst.add.f32.msk $0xffff, v2  }
0xae: {  	[tilespmem:s17+$0xE0] =	vst.add.f32.msk $0xffff, v3  }
0xaf: {  	[tilespmem:s17+$0xD0] =	vst.add.f32.msk $0xffff, v0  }
0xb0: {  	[tilespmem:s17+$0xC0] =	vst.add.f32.msk $0xffff, v1  }
0xb1: {  	[tilespmem:s17+$0xB0] =	vst.add.f32.msk $0xffff, v2  }
0xb2: {  	[tilespmem:s17+$0xA0] =	vst.add.f32.msk $0xffff, v3  }
0xb3: {  	[tilespmem:s17+$0x90] =	vst.add.f32.msk $0xffff, v0  }
0xb4: {  	[tilespmem:s17+$0x80] =	vst.add.f32.msk $0xffff, v1  }
0xb5: {  	[tilespmem:s17+$0x70] =	vst.add.f32.msk $0xffff, v2  }
.Ltmp2:
0xb6: {  	[tilespmem:s17+$0x60] =	vst.add.f32.msk $0xffff, v3;
	(pc) =	sbr.rel @p1 .LBB2_7-.Ltmp2, $4  }
0xb7: {  	[tilespmem:s17+$0x50] =	vst.add.f32.msk $0xffff, v0  }
0xb8: {  	[tilespmem:s17+$0x40] =	vst.add.f32.msk $0xffff, v1  }
0xb9: {  	[tilespmem:s17+$0x30] =	vst.add.f32.msk $0xffff, v2  }
0xba: {  	[tilespmem:s17+$0x20] =	vst.add.f32.msk $0xffff, v3  }
0xbb: {  	s6 =	sadd.s32 s4, s14  }
0xbc: {  	s6 =	smul.u32 $0x640, s6;
	_ =	sdelay $0x1  }
0xbd: {  	[tilespmem:s17+$0x10] =	vst.add.f32.msk $0xffff, v0;
	s6 =	sadd.s32 s2, s6  }
0xbe: {  	[hbm4b:s6+s3] =	stream.linear.scatter [tilespmem:s19], [sflag:$0x7], $0x3200, $0x38;
	[tilespmem:$0x14C00] =	vst v63  }
0xbf: {  	s6 =	simm.s32 @!p0 $0x6  }
0xc0: {  	_ =	swait.ge @!p0 [sflag:s6], $0x3200  }
0xc1: {  	s14 =	simm.s32 @!p0 $0x80;
	[sflag:s6] =	ssyncset.done @!p0 $0x0  }
0xc2: {  	s17 =	simm.s32 @!p0 $0xB600;
	[sflag:s6] =	ssyncadd.s32 @!p0 $0xFFFFCE00;
	s6 =	sadd.s32 @!p0 $0x3E8, s15  }
0xc3: {  	[tilespmem:s17], [sflag:$0x2] =	stream.indirect.gather @!p0 [hbm4b:s5+s14], $0x40, s6, s14, $0xb8;
	[tilespmem:$0x14C00] =	vst v63  }
0xc4: {  	s6 =	sadd.s32 @!p0 $0x468, s15;
	s14 =	simm.s32 @!p0 $0x48;
	s15 =	simm.s32 @!p0 $0xD600  }
0xc5: {  	[tilespmem:s15], [sflag:$0x2] =	stream.indirect.gather @!p0 [hbm4b:s5+s14], $0x40, s6, s14, $0xb8;
	[tilespmem:$0x14C00] =	vst v63  }
0xc6: {  	_ =	swait.ge [sflag:s26], $0x2000  }
0xc7: {  	[sflag:s26] =	ssyncset.done $0x0  }
0xc8: {  	[sflag:s26] =	ssyncadd.s32 $0xFFFFE000  }
0xc9: {  	_ =	swait.ge [sflag:s26], $0x1200  }
0xca: {  	s18 =	sshll.u32 s10, $0x6;
	[sflag:s26] =	ssyncset.done $0x0  }
0xcb: {  	s6 =	sand.u32 $0x3FFFFFC0, s18;
	[sflag:s26] =	ssyncadd.s32 $0xFFFFEE00  }
0xcc: {  	v1 =	vld [tilespmem:s6+$0x6400]  }
0xcd: {  	v2 =	vld [tilespmem:s6+$0x6430]  }
0xce: {  	v3 =	vld [tilespmem:s6+$0x6420]  }
0xcf: {  	v0 =	vld [tilespmem:s6+$0x6410]  }
0xd0: {  	s14 =	simm.s32 $0x11A00  }
0xd1: {  	[tilespmem:s14+$0x0] =	vst.add.f32.msk $0xffff, v1  }
0xd2: {  	[tilespmem:s14+$0xF0] =	vst.add.f32.msk $0xffff, v2  }
0xd3: {  	[tilespmem:s14+$0xE0] =	vst.add.f32.msk $0xffff, v3  }
0xd4: {  	[tilespmem:s14+$0xD0] =	vst.add.f32.msk $0xffff, v0  }
0xd5: {  	[tilespmem:s14+$0xC0] =	vst.add.f32.msk $0xffff, v1  }
0xd6: {  	[tilespmem:s14+$0xB0] =	vst.add.f32.msk $0xffff, v2  }
0xd7: {  	[tilespmem:s14+$0xA0] =	vst.add.f32.msk $0xffff, v3  }
0xd8: {  	[tilespmem:s14+$0x90] =	vst.add.f32.msk $0xffff, v0  }
0xd9: {  	[tilespmem:s14+$0x80] =	vst.add.f32.msk $0xffff, v1  }
0xda: {  	[tilespmem:s14+$0x70] =	vst.add.f32.msk $0xffff, v2  }
0xdb: {  	[tilespmem:s14+$0x60] =	vst.add.f32.msk $0xffff, v3  }
0xdc: {  	[tilespmem:s14+$0x50] =	vst.add.f32.msk $0xffff, v0  }
0xdd: {  	[tilespmem:s14+$0x40] =	vst.add.f32.msk $0xffff, v1  }
0xde: {  	[tilespmem:s14+$0x30] =	vst.add.f32.msk $0xffff, v2  }
0xdf: {  	s15 =	simm.s32 $0x0;
	[tilespmem:s14+$0x20] =	vst.add.f32.msk $0xffff, v3  }
.LBB2_9:
0xe0: {  	s15 =	sadd.s32 $0x4, s15;
	[tilespmem:s14+$0x10] =	vst.add.f32.msk $0xffff, v0;
	s14 =	sadd.s32 $0x100, s14  }
0xe1: {  	[tilespmem:s14+$0x0] =	vst.add.f32.msk $0xffff, v1;
	p0 =	slt.u32 s15, $0xC4  }
0xe2: {  	[tilespmem:s14+$0xF0] =	vst.add.f32.msk $0xffff, v2  }
0xe3: {  	[tilespmem:s14+$0xE0] =	vst.add.f32.msk $0xffff, v3  }
0xe4: {  	[tilespmem:s14+$0xD0] =	vst.add.f32.msk $0xffff, v0  }
0xe5: {  	[tilespmem:s14+$0xC0] =	vst.add.f32.msk $0xffff, v1  }
0xe6: {  	[tilespmem:s14+$0xB0] =	vst.add.f32.msk $0xffff, v2  }
0xe7: {  	[tilespmem:s14+$0xA0] =	vst.add.f32.msk $0xffff, v3  }
0xe8: {  	[tilespmem:s14+$0x90] =	vst.add.f32.msk $0xffff, v0  }
0xe9: {  	[tilespmem:s14+$0x80] =	vst.add.f32.msk $0xffff, v1  }
0xea: {  	[tilespmem:s14+$0x70] =	vst.add.f32.msk $0xffff, v2  }
.Ltmp3:
0xeb: {  	[tilespmem:s14+$0x60] =	vst.add.f32.msk $0xffff, v3;
	(pc) =	sbr.rel @p0 .LBB2_9-.Ltmp3, $4  }
0xec: {  	[tilespmem:s14+$0x50] =	vst.add.f32.msk $0xffff, v0  }
0xed: {  	[tilespmem:s14+$0x40] =	vst.add.f32.msk $0xffff, v1  }
0xee: {  	[tilespmem:s14+$0x30] =	vst.add.f32.msk $0xffff, v2  }
0xef: {  	[tilespmem:s14+$0x20] =	vst.add.f32.msk $0xffff, v3  }
0xf0: {  	s0 =	sadd.s32 $0x1, s0  }
0xf1: {  	p0 =	sne.s32 s0, $0x20  }
.Ltmp4:
0xf2: {  	s6 =	sadd.s32 s4, s10;
	(pc) =	sbr.rel @p0 .LBB2_2-.Ltmp4, $3  }
0xf3: {  	s6 =	smul.u32 $0x640, s6;
	_ =	sdelay $0x1  }
0xf4: {  	[tilespmem:s14+$0x10] =	vst.add.f32.msk $0xffff, v0;
	s6 =	sadd.s32 s2, s6  }
0xf5: {  	[hbm4b:s6+s3] =	stream.linear.scatter [tilespmem:s22], [sflag:$0x8], $0x3200, $0x38;
	[tilespmem:$0x14C00] =	vst v63  }
0xf6: {  	_ =	swait.ge [sflag:s28], $0x3200  }
0xf7: {  	[sflag:s28] =	ssyncset.done $0x0  }
0xf8: {  	[sflag:s28] =	ssyncadd.s32 $0xFFFFCE00  }
0xf9: {  	_ =	swait.ge [sflag:s29], $0x3200  }
0xfa: {  	[sflag:s29] =	ssyncset.done $0x0  }
0xfb: {  	s1 =	sadd.s32 $0x1, s1;
	[sflag:s29] =	ssyncadd.s32 $0xFFFFCE00  }
0xfc: {  	p0 =	sne.s32 s1, s8;
	_ =	swait.ge [sflag:s30], $0x3200  }
.Ltmp5:
0xfd: {  	[sflag:s30] =	ssyncset.done $0x0;
	(pc) =	sbr.rel @p0 .LBB2_1-.Ltmp5, $4  }
0xfe: {  	[sflag:s30] =	ssyncadd.s32 $0xFFFFCE00  }
0xff: {  	_ =	swait.ge [sflag:s31], $0x3200  }
0x100: {  	[sflag:s31] =	ssyncset.done $0x0  }
0x101: {  	[sflag:s31] =	ssyncadd.s32 $0xFFFFCE00  }
0x102: {  	_ =	sfence.sel $0x180000  }
0x103: {  	[bflag:$0x0] =	sbarrier.arrive $0xFFFF  }
0x104: {  	_ =	strace $0x90000047  }
0x105: {  	s0 =	stileid.u32;
	[bflag:$0x2] =	sbarrier.arrive $0xFFFF  }
0x106: {  	p0 =	sne.s32 s0, $0x0;
	s0 =	rddreg [dreg:$0x2]  }
0x107: {  	s0 =	sadd.s32 @!p0 $0x100000, s0  }
0x108: {  	[sflag:s0] =	ssyncadd.tile.s32 @!p0 $0x1;
	_ =	shalt  }
.Lfunc_end2:
_tile_overlayer_lowered:
.L_overlay_start_2:
0x109: {  	(tag) =	ssettag $0x2  }
0x10a: {  	s0 =	rddreg [dreg:$0x0];
	s2 =	stileid.u32  }
0x10b: {  	s1 =	rddreg [dreg:$0x1];
	p0 =	sne.s32 s2, $0x0  }
0x10c: {  	s3 =	rddreg [dreg:$0x2];
	[bflag:$0x3] =	sbarrier.arrive $0xFFFF;
	s2 =	simm.s32 @!p0 $0x1C09  }
0x10d: {  	[timem:s3], [sflag:s2] =	dma.local @!p0 [hbm:s0], s1  }
0x10e: {  	s0 =	simm.s32 @!p0 $0x9  }
0x10f: {  	_ =	swait.ge @!p0 [sflag:s0], s1  }
0x110: {  	s1 =	ssub.s32 @!p0 $0x0, s1;
	[sflag:s0] =	ssyncset.done @!p0 $0x0  }
0x111: {  	[sflag:s0] =	ssyncadd.s32 @!p0 s1  }
0x112: {  	[bflag:$0x3] =	sbarrier.arrive $0xFFFF  }
0x113: {  	_ =	shalt  }

// kernel: sparse-core-data-format-call.cloned.1.call-start
scs
called_computation_lowered:
.L_overlay_start_0:
0x0: {  	s2 =	sld [smem:$0x3FD9]  }
0x1: {  	s3 =	sld [smem:$0x3FFE];
	_ =	sdelay $0x1  }
0x2: {  	s1 =	srdreg.scid  }
0x3: {  	s0 =	sand.u32 $0x1, s1  }
0x4: {  	s18 =	sshll.u32 s0, $0xA;
	s2 =	sadd.s32 s3, s2  }
0x5: {  	s2 =	sadd.s32 s2, s18  }
0x6: {  	[smem:$0x3FC4] =	sst s2  }
0x7: {  	_ = 	snop  }
0x8: {  	s2 =	sld [smem:$0x3FD0];
	(tm) =	ssettm $0x1  }
0x9: {  	s19 =	sld [smem:$0x3FFB];
	_ =	sdelay $0x3  }
0xa: {  	_ =	strace s19  }
0xb: {  	s3 =	sld [smem:$0x3FFC];
	_ =	sdelay $0x3  }
0xc: {  	_ =	strace s3  }
0xd: {  	s3 =	sld [smem:$0x3FFD];
	_ =	sdelay $0x3  }
0xe: {  	_ =	strace s3  }
0xf: {  	_ =	strace $0x8FFFFFFF  }
0x10: {  	s20 =	sld [smem:$0x3FDB];
	_ =	sdelay $0x1  }
0x11: {  	s4 =	simm.s32 $_scs_section_size  }
0x12: {  	s5 =	simm.s32 $_size__tile_overlayer_lowered;
	s6 =	simm.s32 $_tile_overlayer_lowered  }
0x13: {  	s23 =	simm.s32 $0x1BFF;
	s22 =	sshll.u32 s6, $0x1;
	s3 =	sadd.s32 s4, s20  }
0x14: {  	s7 =	simm.s32 $0x0;
	s21 =	sshll.u32 s5, $0x1;
	s5 =	sadd.s32 s22, s3  }
0x15: {  	[timem:s7], [sflag:s23] =	dma.local [hbm:s5], s21  }
0x16: {  	_ =	swait.ge [sflag:s23], s21  }
0x17: {  	s4 =	ssub.s32 $0x0, s21;
	[sflag:s23] =	ssyncset.done $0x0  }
0x18: {  	[sflag:s23] =	ssyncadd.s32 s4;
	_ =	sdelay $0x1  }
0x19: {  	s24 =	simm.s32 $0x1B8B  }
0x1a: {  	_ =	swait.ge [sflag:s24], $0x1  }
0x1b: {  	[sflag:s24] =	ssyncset.done $0x0  }
0x1c: {  	s26 =	simm.s32 $0x1B8E;
	s25 =	sld [smem:$0x3FFE];
	[sflag:s24] =	ssyncadd.s32 $0xFFFFFFFF  }
0x1d: {  	s27 =	simm.s32 $execute0_lowered;
	[smem:$0x3FD2] =	sst s26  }
0x1e: {  	s5 =	sshll.u32 s27, $0x1;
	_ =	strace $0x80000049;
	[dreg:$0x1] =	wrdreg $0xFFFFFFFF  }
0x1f: {  	s28 =	simm.s32 $_size_execute0_lowered;
	s3 =	sadd.s32 s3, s5;
	[dreg:$0x0] =	wrdreg $0x0  }
0x20: {  	s5 =	sshll.u32 s28, $0x1;
	[dreg:$0x2] =	wrdreg s3  }
0x21: {  	[dreg:$0x3] =	wrdreg s5  }
0x22: {  	[dreg:$0x4] =	wrdreg $0xC0  }
0x23: {  	_ =	task [dreg:s7], $0x5FFFF  }
0x24: {  	[dreg:$0x1] =	wrdreg $0xFFFFFFFF  }
0x25: {  	[dreg:$0x0] =	wrdreg $0x60  }
0x26: {  	[dreg:$0x2] =	wrdreg s25  }
0x27: {  	[dreg:$0x3] =	wrdreg s2  }
0x28: {  	[dreg:$0x4] =	wrdreg $0x9  }
0x29: {  	_ =	task.clear_ibuf [dreg:s7], $0x5FFFF;
	_ =	strace $0x90000049  }
0x2a: {  	s29 =	simm.s32 $0x9;
	_ =	strace $0x8000004B  }
0x2b: {  	_ =	swait.ge [sflag:s29], $0x1  }
0x2c: {  	[sflag:s29] =	ssyncadd.s32 $0xFFFFFFFF  }
0x2d: {  	_ =	strace $0x9000004B  }
0x2e: {  	_ =	sfence  }
0x2f: {  	s30 =	sld [smem:$0x0];
	_ =	sdelay $0x2  }
0x30: {  	s31 =	sshll.u32 s1, $0xD;
	s1 =	sshrl.u32 s1, $0x2  }
0x31: {  	s3 =	sand.u32 $0x4000, s31;
	s1 =	sadd.s32 s1, s30  }
0x32: {  	s0 =	sor.u32 s3, s0;
	s1 =	sshll.u32 s1, $0x11  }
0x33: {  	s0 =	sor.u32 s1, s0  }
0x34: {  	s0 =	sadd.s32 $0x8F2B, s0  }
0x35: {  	[sflag:s0] =	ssyncadd.remote.s32 $0x1  }
0x36: {  	_ =	sfence.sel $0xFFFF  }
0x37: {  	[dreg:$0x0] =	wrdreg $0xFFFFFFFF;
	(pc) =	sbr.abs _section_cstart, $3  }
0x38: {  	[dreg:$0x1] =	wrdreg $0xFFFFFFFF  }
0x39: {  	_ =	task.clear_ibuf [dreg:s7], $0x2FFFF;
	_ =	strace $0x9FFFFFFF  }
0x3a: {  	(tm) =	ssettm $0x7FFFFFFF  }
0x3b: {  	_ =	shalt  }
tec
execute0_lowered:
.L_overlay_start_1:
0x0: {  	(tag) =	ssettag $0x1  }
0x1: {  	s0 =	srdreg.scid  }
0x2: {  	s1 =	sshll.u32 s0, $0x4  }
0x3: {  	s0 =	stileid.u32;
	s1 =	sand.u32 $0x10, s1  }
0x4: {  	s1 =	sor.u32 s0, s1  }
0x5: {  	s6 =	rddreg [dreg:$0x0];
	s4 =	simm.s32 $0x1;
	s2 =	sshll.u32 s1, $0x7  }
0x6: {  	s7 =	simm.s32 $0x2;
	s12 =	simm.s32 $0x0;
	s1 =	ssub.s32 $0x1000, s2  }
0x7: {  	s8 =	simm.s32 $0x8000;
	s13 =	simm.s32 $0x0;
	s3 =	sand.u32 $0xF80, s1  }
0x8: {  	s9 =	simm.s32 $0x0;
	s5 =	sshrl.u32 s1, $0xC;
	p0 =	sne.s32 s3, $0x0  }
.Ltmp0:
0x9: {  	s1 =	rddreg [dreg:$0x2];
	s4 =	simm.s32 @!p0 $0x0;
	(pc) =	sbr.rel .LBB1_1-.Ltmp0, $4  }
0xa: {  	s11 =	simm.s32 $0x0;
	s3 =	rddreg [dreg:$0x1];
	s5 =	sadd.s32 s4, s5  }
0xb: {  	_ =	strace $0x8000004A;
	s4 =	simm.s32 $0x1;
	s5 =	smul.u32 $0xC8, s5  }
0xc: {  	s6 =	sadd.s32 $0xE00, s6;
	s10 =	smov.u32 s2;
	[sflag:s4] =	ssyncpa.u1 $0x0  }
0xd: {  	p0 =	por $0x0, $0x0;
	[sflag:s7] =	ssyncpa.u1 $0x0;
	s7 =	sor.u32 $0x1, s5  }
.LBB1_4:
0xe: {  	s16 =	sshll.u32 s13, $0x3;
	s17 =	sand.u32 $0x78, s13  }
0xf: {  	s30 =	sand.u32 $0x7E00, s13;
	s12 =	sshll.u32 s12, $0xF;
	s16 =	sand.u32 $0xC00, s16  }
0x10: {  	[tilespmem:s15+$0x810 ss:$0x81] =	vst.msk $0xffff, v2;
	s31 =	sand.u32 $0x7, s13;
	s16 =	sor.u32 s17, s16;
	s17 =	sadd.s32 s3, s30  }
0x11: {  	[tilespmem:s15+$0x1020 ss:$0x81] =	vst.msk $0xffff, v0;
	s13 =	sshll.u32 s31, $0x12;
	s12 =	sadd.s32 s12, s17;
	s16 =	sshrl.u32 s16, $0x3  }
0x12: {  	[tilespmem:s15+$0x0 ss:$0x81] =	vst.msk $0xffff, v1;
	s13 =	sor.u32 $0x400, s13;
	s12 =	sadd.s32 s16, s12  }
0x13: {  	[hbm4b:s12+s13] =	stream.strided.scatter [tilespmem:s14], [sflag:$0x2], $0x2000, s8, s13, $0x20;
	[tilespmem:$0x8080] =	vst v63  }
.LBB1_5:
0x14: {  	s14 =	sadd.s32 $0x1, s9  }
0x15: {  	s12 =	sadd.s32 $0x1000, s10;
	s16 =	smov.u32 s10;
	p2 =	sgt.s32 s14, $0xC7  }
0x16: {  	s16 =	smov.u32 @p2 s12  }
0x17: {  	s14 =	simm.s32 @p2 $0x0;
	p2 =	sgt.s32 s16, $0xFFF  }
0x18: {  	s16 =	smov.u32 @p2 s2;
	p2 =	sne.s32 s11, s7  }
.Ltmp1:
0x19: {  	p1 =	slt.u32 s11, $0x2;
	(pc) =	sbr.rel @!p2 .LBB1_6-.Ltmp1, $4  }
0x1a: {  	s15 =	simm.s32 @!p1 $0x2  }
0x1b: {  	s13 =	smov.u32 s10;
	p0 =	por !p0, !p0;
	_ =	swait.ge @!p1 [sflag:s15], $0x2000  }
0x1c: {  	s12 =	smov.u32 s9;
	[sflag:s15] =	ssyncset.done @!p1 $0x0;
	s9 =	smov.u32 s14  }
0x1d: {  	s11 =	sadd.s32 $0x1, s11;
	[sflag:s15] =	ssyncadd.s32 @!p1 $0xFFFFE000;
	s10 =	smov.u32 s16  }
.LBB1_1:
0x1e: {  	p1 =	sge.u32 s11, s5  }
0x1f: {  	s14 =	sand.u32 @!p1 $0x1FFFFFF, s9  }
0x20: {  	s15 =	smulhi.u32 @!p1 $0x147AE15, s14;
	_ =	sdelay $0x1  }
0x21: {  	s15 =	smul.u32 @!p1 $0xC8, s15  }
0x22: {  	s16 =	sxor.u32 @!p1 $0xFFFFFFFF, s11;
	s17 =	smul.u32 @!p1 $0xC80, s10  }
0x23: {  	s31 =	sadd.s32 $0xFFFFFFFF, s11;
	s16 =	sshll.u32 @!p1 s16, $0xD;
	s14 =	ssub.s32 @!p1 s14, s15  }
0x24: {  	s15 =	sand.u32 @!p1 $0x2000, s16;
	s16 =	sadd.s32 @!p1 s6, s17;
	s14 =	sshll.u32 @!p1 s14, $0x4  }
0x25: {  	s17 =	simm.s32 @!p1 $0x6400;
	s14 =	sadd.s32 @!p1 s14, s16;
	s16 =	simm.s32 @!p1 $0x40  }
0x26: {  	[tilespmem:s15], [sflag:$0x1] =	stream.strided.gather @!p1 [hbm4b:s14+s16], $0x2000, s17, s16, $0x38;
	[tilespmem:$0x8080] =	vst v63  }
0x27: {  	p1 =	sge.u32 s31, s5  }
.Ltmp2:
0x28: {  	_ = 	snop;
	(pc) =	sbr.rel @p1 .LBB1_5-.Ltmp2, $1  }
0x29: {  	_ =	sdelay $0x3  }
0x2a: {  	s14 =	simm.s32 $0x1  }
0x2b: {  	_ =	swait.ge [sflag:s4], $0x2000;
	s14 =	simm.s32 @!p0 $0x0  }
0x2c: {  	[sflag:s4] =	ssyncset.done $0x0;
	s15 =	sshll.u32 s14, $0xD  }
0x2d: {  	[sflag:s4] =	ssyncadd.s32 $0xFFFFE000;
	s18 =	sor.u32 $0x20, s15  }
0x2e: {  	s14 =	smul.u32 $0x8100, s14;
	v3 =	vld [tilespmem:s18+$0x10]  }
0x2f: {  	s30 =	sand.u32 $0x1, s11;
	v2 =	vld [tilespmem:s18+$0xFFFFFFF0]  }
0x30: {  	s15 =	smul.u32 $0x8100, s30;
	s14 =	sshrl.u32 s14, $0x2;
	v0 =	vld [tilespmem:s18+$0x0]  }
0x31: {  	v1 =	vld [tilespmem:s18+$0xFFFFFFE0];
	s16 =	sor.u32 $0x4000, s14  }
0x32: {  	s31 =	sshrl.u32 s15, $0x2;
	s15 =	sadd.s32 $0x0, s16  }
0x33: {  	s17 =	simm.s32 $0x4;
	s18 =	sadd.s32 $0x40, s18;
	s14 =	sor.u32 $0x4000, s31;
	[tilespmem:s15+$0x1830 ss:$0x81] =	vst.msk $0xffff, v3  }
.LBB1_3:
0x34: {  	v3 =	vld [tilespmem:s18+$0x10];
	p1 =	sne.s32 s17, $0x1FC;
	[tilespmem:s15+$0x810 ss:$0x81] =	vst.msk $0xffff, v2;
	s19 =	smov.u32 s17;
	s17 =	sadd.s32 $0x4, s17  }
.Ltmp3:
0x35: {  	v2 =	vld [tilespmem:s18+$0xFFFFFFF0];
	[tilespmem:s15+$0x1020 ss:$0x81] =	vst.msk $0xffff, v0;
	(pc) =	sbr.rel @p1 .LBB1_3-.Ltmp3, $4  }
0x36: {  	v0 =	vld [tilespmem:s18+$0x0];
	[tilespmem:s15+$0x0 ss:$0x81] =	vst.msk $0xffff, v1  }
0x37: {  	s15 =	sshra.s32 s19, $0x2;
	v1 =	vld [tilespmem:s18+$0xFFFFFFE0]  }
0x38: {  	s15 =	sadd.s32 s15, s16  }
0x39: {  	s18 =	sadd.s32 $0x40, s18;
	[tilespmem:s15+$0x1830 ss:$0x81] =	vst.msk $0xffff, v3  }
.Ltmp4:
0x3a: {  	_ = 	snop;
	(pc) =	sbr.rel .LBB1_4-.Ltmp4, $1  }
0x3b: {  	_ =	sdelay $0x3  }
.LBB1_6:
0x3c: {  	_ =	sfence.sel $0x180000  }
0x3d: {  	s2 =	simm.s32 $0x1;
	[bflag:$0x0] =	sbarrier.arrive $0xFFFF  }
0x3e: {  	s31 =	simm.s32 $0x2;
	[sflag:s2] =	ssyncpa.u1 $0x1  }
0x3f: {  	[sflag:s31] =	ssyncpa.u1 $0x1  }
0x40: {  	p0 =	sne.s32 s0, $0x0;
	_ =	strace $0x9000004A  }
0x41: {  	s0 =	sadd.s32 @!p0 $0x100000, s1;
	[bflag:$0x2] =	sbarrier.arrive $0xFFFF  }
0x42: {  	[sflag:s0] =	ssyncadd.tile.s32 @!p0 $0x1;
	_ =	shalt  }
.Lfunc_end1:
_tile_overlayer_lowered:
.L_overlay_start_2:
0x43: {  	(tag) =	ssettag $0x2  }
0x44: {  	s0 =	rddreg [dreg:$0x0];
	s2 =	stileid.u32  }
0x45: {  	s1 =	rddreg [dreg:$0x1];
	p0 =	sne.s32 s2, $0x0  }
0x46: {  	s3 =	rddreg [dreg:$0x2];
	[bflag:$0x3] =	sbarrier.arrive $0xFFFF;
	s2 =	simm.s32 @!p0 $0x1C01  }
0x47: {  	[timem:s3], [sflag:s2] =	dma.local @!p0 [hbm:s0], s1  }
0x48: {  	s0 =	simm.s32 @!p0 $0x1  }
0x49: {  	_ =	swait.ge @!p0 [sflag:s0], s1  }
0x4a: {  	s1 =	ssub.s32 @!p0 $0x0, s1;
	[sflag:s0] =	ssyncset.done @!p0 $0x0  }
0x4b: {  	[sflag:s0] =	ssyncadd.s32 @!p0 s1  }
0x4c: {  	[bflag:$0x3] =	sbarrier.arrive $0xFFFF  }
0x4d: {  	_ =	shalt  }

</sc_bundles>
